<compile_context>
chip_gen: v7x
topology: tpu7x:2x2x1
jax: 0.10.2.dev20260603
libtpu: 0.0.44.dev20260713+nightly
codegen_flags: <defaults>
</compile_context>

<pallas_src>
import functools

import jax
import jax.numpy as jnp
from jax import lax
from jax.experimental import pallas as pl
from jax.experimental.pallas import tpu as pltpu, tpu_sc as plsc

B = 16384
D = 128
VOCABS = [4, 2, 2, 5, 3, 4, 4]
NT = len(VOCABS)
NROWS = sum(VOCABS)
RPAD = 32
OFFS = [0]
for _v in VOCABS[:-1]:
    OFFS.append(OFFS[-1] + _v)
ROW_TABLE = []
for _i, _v in enumerate(VOCABS):
    ROW_TABLE.extend([_i] * _v)

NC = 2
NS = 16
NW = NC * NS
BPW = B // NW
LANES = 16
NCHUNK = BPW // LANES
NGRP = RPAD // LANES
DUNROLL = 4
MUNROLL = 2
WWORDS = 2 * D * RPAD


def _tanh16(x):
    ax = jnp.abs(x)
    e = jnp.exp(-2.0 * ax)
    return jnp.sign(x) * ((1.0 - e) / (1.0 + e))


def _sc_body(x_hbm, w_hbm, out_hbm, xv, wv, sv, outv, sem):
    wid = lax.axis_index("s") * NC + lax.axis_index("c")
    base = wid * BPW

    copies = [
        pltpu.async_copy(w_hbm, wv, sem),
        pltpu.async_copy(x_hbm.at[:, pl.ds(base, BPW)], xv, sem),
    ]
    for c in copies:
        c.wait()

    def pre_body(it, accs):
        new = list(accs)
        for u in range(DUNROLL):
            off = (it * DUNROLL + u) * RPAD
            for g in range(NGRP):
                evec = wv[pl.ds(off + g * LANES, LANES)]
                pvec = wv[pl.ds(D * RPAD + off + g * LANES, LANES)]
                new[g] = new[g] + _tanh16(evec) * pvec
        return tuple(new)

    zero = jnp.zeros((LANES,), jnp.float32)
    accs = lax.fori_loop(0, D // DUNROLL, pre_body, (zero,) * NGRP)
    for g in range(NGRP):
        sv[pl.ds(g * LANES, LANES)] = accs[g]

    def chunk_body(j, carry):
        for u in range(MUNROLL):
            off = (j * MUNROLL + u) * LANES
            acc = None
            for i in range(NT):
                idx = xv[i, pl.ds(off, LANES)] + OFFS[i]
                g = plsc.load_gather(sv, [idx])
                acc = g if acc is None else acc + g
            outv[pl.ds(off, LANES)] = acc
        return carry

    lax.fori_loop(0, NCHUNK // MUNROLL, chunk_body, 0)

    pltpu.sync_copy(outv, out_hbm.at[pl.ds(base, BPW)])


@jax.jit
def _run(x, wblob):
    mesh = plsc.VectorSubcoreMesh(core_axis_name="c", subcore_axis_name="s")
    f = functools.partial(
        pl.kernel,
        mesh=mesh,
        out_type=jax.ShapeDtypeStruct((B,), jnp.float32),
        scratch_types=[
            pltpu.VMEM((NT, BPW), jnp.int32),
            pltpu.VMEM((WWORDS,), jnp.float32),
            pltpu.VMEM((RPAD,), jnp.float32),
            pltpu.VMEM((BPW,), jnp.float32),
            pltpu.SemaphoreType.DMA,
        ],
        compiler_params=pltpu.CompilerParams(needs_layout_passes=False),
    )(_sc_body)
    return f(x, wblob)


def kernel(input, E1, E2, E3, E4, E5, E6, E7, W):
    epk = jnp.concatenate([E1, E2, E3, E4, E5, E6, E7], axis=0)
    wrows = W.reshape(NT, D)[jnp.array(ROW_TABLE)]
    pad = ((0, RPAD - NROWS), (0, 0))
    et = jnp.pad(epk, pad).T.reshape(-1)
    wt = jnp.pad(wrows, pad).T.reshape(-1)
    wblob = jnp.concatenate([et, wt])
    out = _run(input, wblob)
    return out.reshape(B, 1)

# --- scband reference (transcript-rebuilt; emitter-appended) ---
"""Pipeline reference for scband-mlp-84842783965594 (READ-ONLY COPY).

The authoritative reference and input builder live on the scoring server;
editing this copy changes nothing except your own understanding.
"""

import jax, jax.numpy as jnp
import numpy as np

B = 16384
D = 128
VOCABS = [4, 2, 2, 5, 3, 4, 4]


def setup_inputs(seed: int = 0) -> dict:
    key = jax.random.key(seed)
    ks = jax.random.split(key, 9)
    inp = jax.random.randint(ks[0], (7, B), 0, 2, dtype=jnp.int32)
    out = {"input": inp}
    for i, v in enumerate(VOCABS):
        out[f"E{i+1}"] = jax.random.normal(ks[i + 1], (v, D), dtype=jnp.float32) * 0.1
    out["W"] = jax.random.normal(ks[8], (7 * D, 1), dtype=jnp.float32) * 0.05
    return out


def reference(input, E1, E2, E3, E4, E5, E6, E7, W):
    tables = [E1, E2, E3, E4, E5, E6, E7]
    embs = [jnp.take(tables[i], input[i], axis=0) for i in range(7)]  # each [B, D]
    mlp_out = jnp.concatenate(embs, axis=-1)  # [B, 7*D]
    proj = jnp.tanh(mlp_out) @ W  # [B, 1]
    inference = jnp.sum(proj, axis=1, keepdims=True)  # [B, 1]
    return inference

if __name__ == "__main__":
    import jax
    _d = setup_inputs()
    print(jax.jit(kernel)(*tuple(_d.values())))

</pallas_src>

<mosaic_0001>
#map = affine_map<(d0, d1) -> (0, 0)>
#map1 = affine_map<(d0, d1) -> (0)>
module attributes {stable_mosaic.version = 14 : i64} {
  func.func @_sc_body(%arg0: i32, %arg1: i32, %arg2: memref<7x16384xi32, #tpu.memory_space<hbm>>, %arg3: memref<8192xf32, #tpu.memory_space<hbm>>, %arg4: memref<16384xf32, #tpu.memory_space<hbm>>, %arg5: memref<7x512xi32, #tpu.memory_space<vmem>>, %arg6: memref<8192xf32, #tpu.memory_space<vmem>>, %arg7: memref<32xf32, #tpu.memory_space<vmem>>, %arg8: memref<512xf32, #tpu.memory_space<vmem>>, %arg9: memref<!tpu.dma_semaphore, #tpu.memory_space<semaphore_mem>>) attributes {dimension_semantics = [#tpu.dimension_semantics<core_parallel>, #tpu.dimension_semantics<subcore_parallel>], iteration_bounds = array<i64: 2, 16>, scalar_prefetch = 0 : i64, scratch_operands = 5 : i64, tpu.core_type = #tpu.core_type<sc_vector_subcore>, window_params = [{transform_indices = #map}, {transform_indices = #map1}, {transform_indices = #map1}]} {
    %mul3A = arith.constant 2 : i32
    %mul3A_0 = arith.muli %arg1, %mul3A : i32
    %add3A = arith.addi %mul3A_0, %arg0 : i32
    %mul3A_1 = arith.constant 512 : i32
    %mul3A_2 = arith.muli %add3A, %mul3A_1 : i32
    tpu.enqueue_dma source(%arg3 : memref<8192xf32, #tpu.memory_space<hbm>>) target(%arg6 : memref<8192xf32, #tpu.memory_space<vmem>>) target_semaphore(%arg9 : memref<!tpu.dma_semaphore, #tpu.memory_space<semaphore_mem>>)
    %dma_start3A = arith.constant 0 : i32
    %dma_start3A_3 = tpu.memref_slice %arg2[%dma_start3A, %mul3A_2] : memref<7x16384xi32, #tpu.memory_space<hbm>> -> memref<7x512xi32, #tpu.memory_space<hbm>>
    %dma_start3A_4 = arith.constant 0 : i32
    %dma_start3A_5 = tpu.memref_slice %arg2[%dma_start3A_4, %mul3A_2] : memref<7x16384xi32, #tpu.memory_space<hbm>> -> memref<7x512xi32, #tpu.memory_space<hbm>>
    tpu.enqueue_dma source(%dma_start3A_5 : memref<7x512xi32, #tpu.memory_space<hbm>>) target(%arg5 : memref<7x512xi32, #tpu.memory_space<vmem>>) target_semaphore(%arg9 : memref<!tpu.dma_semaphore, #tpu.memory_space<semaphore_mem>>)
    tpu.wait_dma2 semaphore(%arg9 : memref<!tpu.dma_semaphore, #tpu.memory_space<semaphore_mem>>) src(%arg3 : memref<8192xf32, #tpu.memory_space<hbm>>) dst(%arg6 : memref<8192xf32, #tpu.memory_space<vmem>>)
    %dma_wait3A = arith.constant 0 : i32
    %dma_wait3A_6 = tpu.memref_slice %arg2[%dma_wait3A, %mul3A_2] : memref<7x16384xi32, #tpu.memory_space<hbm>> -> memref<7x512xi32, #tpu.memory_space<hbm>>
    %dma_wait3A_7 = arith.constant 0 : i32
    %dma_wait3A_8 = tpu.memref_slice %arg2[%dma_wait3A_7, %mul3A_2] : memref<7x16384xi32, #tpu.memory_space<hbm>> -> memref<7x512xi32, #tpu.memory_space<hbm>>
    tpu.wait_dma2 semaphore(%arg9 : memref<!tpu.dma_semaphore, #tpu.memory_space<semaphore_mem>>) src(%dma_wait3A_8 : memref<7x512xi32, #tpu.memory_space<hbm>>) dst(%arg5 : memref<7x512xi32, #tpu.memory_space<vmem>>)
    %broadcast_in_dim3A = arith.constant 0.000000e+00 : f32
    %broadcast_in_dim3A_9 = vector.broadcast %broadcast_in_dim3A : f32 to vector<16xf32>
    %scan3A = arith.constant 0 : i32
    %scan3A_10 = arith.constant 32 : i32
    %scan3A_11 = arith.addi %scan3A, %scan3A_10 : i32
    %scan3A_12 = arith.constant 1 : i32
    %scan3A_13:2 = scf.for %scan3A_24 = %scan3A to %scan3A_11 step %scan3A_12 iter_args(%scan3A_25 = %broadcast_in_dim3A_9, %scan3A_26 = %broadcast_in_dim3A_9) -> (vector<16xf32>, vector<16xf32>)  : i32 {
      %mul3A_27 = arith.constant 4 : i32
      %mul3A_28 = arith.muli %scan3A_24, %mul3A_27 : i32
      %add3A_29 = arith.constant 0 : i32
      %add3A_30 = arith.addi %mul3A_28, %add3A_29 : i32
      %mul3A_31 = arith.constant 32 : i32
      %mul3A_32 = arith.muli %add3A_30, %mul3A_31 : i32
      %add3A_33 = arith.constant 0 : i32
      %add3A_34 = arith.addi %mul3A_32, %add3A_33 : i32
      %get3A = arith.index_cast %add3A_34 : i32 to index
      %get3A_35 = tpu.vector_load %arg6[%get3A] {strides = array<i32>} : memref<8192xf32, #tpu.memory_space<vmem>>, vector<16xf32>,
      %add3A_36 = arith.constant 4096 : i32
      %add3A_37 = arith.addi %add3A_36, %mul3A_32 : i32
      %add3A_38 = arith.constant 0 : i32
      %add3A_39 = arith.addi %add3A_37, %add3A_38 : i32
      %get3A_40 = arith.index_cast %add3A_39 : i32 to index
      %get3A_41 = tpu.vector_load %arg6[%get3A_40] {strides = array<i32>} : memref<8192xf32, #tpu.memory_space<vmem>>, vector<16xf32>,
      %abs3A = math.absf %get3A_35 : vector<16xf32>
      %mul3A_42 = arith.constant -2.000000e+00 : f32
      %mul3A_43 = vector.broadcast %mul3A_42 : f32 to vector<16xf32>
      %mul3A_44 = arith.mulf %mul3A_43, %abs3A : vector<16xf32>
      %exp3A = math.exp %mul3A_44 : vector<16xf32>
      %sign3A = tpu.bitcast %get3A_35 : vector<16xf32> -> vector<16xi32>
      %sign3A_45 = arith.constant -2147483648 : i32
      %sign3A_46 = vector.broadcast %sign3A_45 : i32 to vector<16xi32>
      %sign3A_47 = arith.andi %sign3A, %sign3A_46 : vector<16xi32>
      %sign3A_48 = arith.constant 1065353216 : i32
      %sign3A_49 = vector.broadcast %sign3A_48 : i32 to vector<16xi32>
      %sign3A_50 = arith.ori %sign3A_49, %sign3A_47 : vector<16xi32>
      %sign3A_51 = tpu.bitcast %sign3A_50 : vector<16xi32> -> vector<16xf32>
      %sign3A_52 = math.absf %get3A_35 : vector<16xf32>
      %sign3A_53 = arith.constant 0.000000e+00 : f32
      %sign3A_54 = vector.broadcast %sign3A_53 : f32 to vector<16xf32>
      %sign3A_55 = arith.cmpf ogt, %sign3A_52, %sign3A_54 : vector<16xf32>
      %sign3A_56 = arith.select %sign3A_55, %sign3A_51, %get3A_35 : vector<16xi1>, vector<16xf32>
      %sub3A = arith.constant 1.000000e+00 : f32
      %sub3A_57 = vector.broadcast %sub3A : f32 to vector<16xf32>
      %sub3A_58 = arith.subf %sub3A_57, %exp3A : vector<16xf32>
      %add3A_59 = arith.constant 1.000000e+00 : f32
      %add3A_60 = vector.broadcast %add3A_59 : f32 to vector<16xf32>
      %add3A_61 = arith.addf %add3A_60, %exp3A : vector<16xf32>
      %div3A = arith.divf %sub3A_58, %add3A_61 : vector<16xf32>
      %mul3A_62 = arith.mulf %sign3A_56, %div3A : vector<16xf32>
      %mul3A_63 = arith.mulf %mul3A_62, %get3A_41 : vector<16xf32>
      %add3A_64 = arith.addf %scan3A_25, %mul3A_63 : vector<16xf32>
      %add3A_65 = arith.constant 16 : i32
      %add3A_66 = arith.addi %mul3A_32, %add3A_65 : i32
      %get3A_67 = arith.index_cast %add3A_66 : i32 to index
      %get3A_68 = tpu.vector_load %arg6[%get3A_67] {strides = array<i32>} : memref<8192xf32, #tpu.memory_space<vmem>>, vector<16xf32>,
      %add3A_69 = arith.constant 4096 : i32
      %add3A_70 = arith.addi %add3A_69, %mul3A_32 : i32
      %add3A_71 = arith.constant 16 : i32
      %add3A_72 = arith.addi %add3A_70, %add3A_71 : i32
      %get3A_73 = arith.index_cast %add3A_72 : i32 to index
      %get3A_74 = tpu.vector_load %arg6[%get3A_73] {strides = array<i32>} : memref<8192xf32, #tpu.memory_space<vmem>>, vector<16xf32>,
      %abs3A_75 = math.absf %get3A_68 : vector<16xf32>
      %mul3A_76 = arith.constant -2.000000e+00 : f32
      %mul3A_77 = vector.broadcast %mul3A_76 : f32 to vector<16xf32>
      %mul3A_78 = arith.mulf %mul3A_77, %abs3A_75 : vector<16xf32>
      %exp3A_79 = math.exp %mul3A_78 : vector<16xf32>
      %sign3A_80 = tpu.bitcast %get3A_68 : vector<16xf32> -> vector<16xi32>
      %sign3A_81 = arith.constant -2147483648 : i32
      %sign3A_82 = vector.broadcast %sign3A_81 : i32 to vector<16xi32>
      %sign3A_83 = arith.andi %sign3A_80, %sign3A_82 : vector<16xi32>
      %sign3A_84 = arith.constant 1065353216 : i32
      %sign3A_85 = vector.broadcast %sign3A_84 : i32 to vector<16xi32>
      %sign3A_86 = arith.ori %sign3A_85, %sign3A_83 : vector<16xi32>
      %sign3A_87 = tpu.bitcast %sign3A_86 : vector<16xi32> -> vector<16xf32>
      %sign3A_88 = math.absf %get3A_68 : vector<16xf32>
      %sign3A_89 = arith.constant 0.000000e+00 : f32
      %sign3A_90 = vector.broadcast %sign3A_89 : f32 to vector<16xf32>
      %sign3A_91 = arith.cmpf ogt, %sign3A_88, %sign3A_90 : vector<16xf32>
      %sign3A_92 = arith.select %sign3A_91, %sign3A_87, %get3A_68 : vector<16xi1>, vector<16xf32>
      %sub3A_93 = arith.constant 1.000000e+00 : f32
      %sub3A_94 = vector.broadcast %sub3A_93 : f32 to vector<16xf32>
      %sub3A_95 = arith.subf %sub3A_94, %exp3A_79 : vector<16xf32>
      %add3A_96 = arith.constant 1.000000e+00 : f32
      %add3A_97 = vector.broadcast %add3A_96 : f32 to vector<16xf32>
      %add3A_98 = arith.addf %add3A_97, %exp3A_79 : vector<16xf32>
      %div3A_99 = arith.divf %sub3A_95, %add3A_98 : vector<16xf32>
      %mul3A_100 = arith.mulf %sign3A_92, %div3A_99 : vector<16xf32>
      %mul3A_101 = arith.mulf %mul3A_100, %get3A_74 : vector<16xf32>
      %add3A_102 = arith.addf %scan3A_26, %mul3A_101 : vector<16xf32>
      %mul3A_103 = arith.constant 4 : i32
      %mul3A_104 = arith.muli %scan3A_24, %mul3A_103 : i32
      %add3A_105 = arith.constant 1 : i32
      %add3A_106 = arith.addi %mul3A_104, %add3A_105 : i32
      %mul3A_107 = arith.constant 32 : i32
      %mul3A_108 = arith.muli %add3A_106, %mul3A_107 : i32
      %add3A_109 = arith.constant 0 : i32
      %add3A_110 = arith.addi %mul3A_108, %add3A_109 : i32
      %get3A_111 = arith.index_cast %add3A_110 : i32 to index
      %get3A_112 = tpu.vector_load %arg6[%get3A_111] {strides = array<i32>} : memref<8192xf32, #tpu.memory_space<vmem>>, vector<16xf32>,
      %add3A_113 = arith.constant 4096 : i32
      %add3A_114 = arith.addi %add3A_113, %mul3A_108 : i32
      %add3A_115 = arith.constant 0 : i32
      %add3A_116 = arith.addi %add3A_114, %add3A_115 : i32
      %get3A_117 = arith.index_cast %add3A_116 : i32 to index
      %get3A_118 = tpu.vector_load %arg6[%get3A_117] {strides = array<i32>} : memref<8192xf32, #tpu.memory_space<vmem>>, vector<16xf32>,
      %abs3A_119 = math.absf %get3A_112 : vector<16xf32>
      %mul3A_120 = arith.constant -2.000000e+00 : f32
      %mul3A_121 = vector.broadcast %mul3A_120 : f32 to vector<16xf32>
      %mul3A_122 = arith.mulf %mul3A_121, %abs3A_119 : vector<16xf32>
      %exp3A_123 = math.exp %mul3A_122 : vector<16xf32>
      %sign3A_124 = tpu.bitcast %get3A_112 : vector<16xf32> -> vector<16xi32>
      %sign3A_125 = arith.constant -2147483648 : i32
      %sign3A_126 = vector.broadcast %sign3A_125 : i32 to vector<16xi32>
      %sign3A_127 = arith.andi %sign3A_124, %sign3A_126 : vector<16xi32>
      %sign3A_128 = arith.constant 1065353216 : i32
      %sign3A_129 = vector.broadcast %sign3A_128 : i32 to vector<16xi32>
      %sign3A_130 = arith.ori %sign3A_129, %sign3A_127 : vector<16xi32>
      %sign3A_131 = tpu.bitcast %sign3A_130 : vector<16xi32> -> vector<16xf32>
      %sign3A_132 = math.absf %get3A_112 : vector<16xf32>
      %sign3A_133 = arith.constant 0.000000e+00 : f32
      %sign3A_134 = vector.broadcast %sign3A_133 : f32 to vector<16xf32>
      %sign3A_135 = arith.cmpf ogt, %sign3A_132, %sign3A_134 : vector<16xf32>
      %sign3A_136 = arith.select %sign3A_135, %sign3A_131, %get3A_112 : vector<16xi1>, vector<16xf32>
      %sub3A_137 = arith.constant 1.000000e+00 : f32
      %sub3A_138 = vector.broadcast %sub3A_137 : f32 to vector<16xf32>
      %sub3A_139 = arith.subf %sub3A_138, %exp3A_123 : vector<16xf32>
      %add3A_140 = arith.constant 1.000000e+00 : f32
      %add3A_141 = vector.broadcast %add3A_140 : f32 to vector<16xf32>
      %add3A_142 = arith.addf %add3A_141, %exp3A_123 : vector<16xf32>
      %div3A_143 = arith.divf %sub3A_139, %add3A_142 : vector<16xf32>
      %mul3A_144 = arith.mulf %sign3A_136, %div3A_143 : vector<16xf32>
      %mul3A_145 = arith.mulf %mul3A_144, %get3A_118 : vector<16xf32>
      %add3A_146 = arith.addf %add3A_64, %mul3A_145 : vector<16xf32>
      %add3A_147 = arith.constant 16 : i32
      %add3A_148 = arith.addi %mul3A_108, %add3A_147 : i32
      %get3A_149 = arith.index_cast %add3A_148 : i32 to index
      %get3A_150 = tpu.vector_load %arg6[%get3A_149] {strides = array<i32>} : memref<8192xf32, #tpu.memory_space<vmem>>, vector<16xf32>,
      %add3A_151 = arith.constant 4096 : i32
      %add3A_152 = arith.addi %add3A_151, %mul3A_108 : i32
      %add3A_153 = arith.constant 16 : i32
      %add3A_154 = arith.addi %add3A_152, %add3A_153 : i32
      %get3A_155 = arith.index_cast %add3A_154 : i32 to index
      %get3A_156 = tpu.vector_load %arg6[%get3A_155] {strides = array<i32>} : memref<8192xf32, #tpu.memory_space<vmem>>, vector<16xf32>,
      %abs3A_157 = math.absf %get3A_150 : vector<16xf32>
      %mul3A_158 = arith.constant -2.000000e+00 : f32
      %mul3A_159 = vector.broadcast %mul3A_158 : f32 to vector<16xf32>
      %mul3A_160 = arith.mulf %mul3A_159, %abs3A_157 : vector<16xf32>
      %exp3A_161 = math.exp %mul3A_160 : vector<16xf32>
      %sign3A_162 = tpu.bitcast %get3A_150 : vector<16xf32> -> vector<16xi32>
      %sign3A_163 = arith.constant -2147483648 : i32
      %sign3A_164 = vector.broadcast %sign3A_163 : i32 to vector<16xi32>
      %sign3A_165 = arith.andi %sign3A_162, %sign3A_164 : vector<16xi32>
      %sign3A_166 = arith.constant 1065353216 : i32
      %sign3A_167 = vector.broadcast %sign3A_166 : i32 to vector<16xi32>
      %sign3A_168 = arith.ori %sign3A_167, %sign3A_165 : vector<16xi32>
      %sign3A_169 = tpu.bitcast %sign3A_168 : vector<16xi32> -> vector<16xf32>
      %sign3A_170 = math.absf %get3A_150 : vector<16xf32>
      %sign3A_171 = arith.constant 0.000000e+00 : f32
      %sign3A_172 = vector.broadcast %sign3A_171 : f32 to vector<16xf32>
      %sign3A_173 = arith.cmpf ogt, %sign3A_170, %sign3A_172 : vector<16xf32>
      %sign3A_174 = arith.select %sign3A_173, %sign3A_169, %get3A_150 : vector<16xi1>, vector<16xf32>
      %sub3A_175 = arith.constant 1.000000e+00 : f32
      %sub3A_176 = vector.broadcast %sub3A_175 : f32 to vector<16xf32>
      %sub3A_177 = arith.subf %sub3A_176, %exp3A_161 : vector<16xf32>
      %add3A_178 = arith.constant 1.000000e+00 : f32
      %add3A_179 = vector.broadcast %add3A_178 : f32 to vector<16xf32>
      %add3A_180 = arith.addf %add3A_179, %exp3A_161 : vector<16xf32>
      %div3A_181 = arith.divf %sub3A_177, %add3A_180 : vector<16xf32>
      %mul3A_182 = arith.mulf %sign3A_174, %div3A_181 : vector<16xf32>
      %mul3A_183 = arith.mulf %mul3A_182, %get3A_156 : vector<16xf32>
      %add3A_184 = arith.addf %add3A_102, %mul3A_183 : vector<16xf32>
      %mul3A_185 = arith.constant 4 : i32
      %mul3A_186 = arith.muli %scan3A_24, %mul3A_185 : i32
      %add3A_187 = arith.constant 2 : i32
      %add3A_188 = arith.addi %mul3A_186, %add3A_187 : i32
      %mul3A_189 = arith.constant 32 : i32
      %mul3A_190 = arith.muli %add3A_188, %mul3A_189 : i32
      %add3A_191 = arith.constant 0 : i32
      %add3A_192 = arith.addi %mul3A_190, %add3A_191 : i32
      %get3A_193 = arith.index_cast %add3A_192 : i32 to index
      %get3A_194 = tpu.vector_load %arg6[%get3A_193] {strides = array<i32>} : memref<8192xf32, #tpu.memory_space<vmem>>, vector<16xf32>,
      %add3A_195 = arith.constant 4096 : i32
      %add3A_196 = arith.addi %add3A_195, %mul3A_190 : i32
      %add3A_197 = arith.constant 0 : i32
      %add3A_198 = arith.addi %add3A_196, %add3A_197 : i32
      %get3A_199 = arith.index_cast %add3A_198 : i32 to index
      %get3A_200 = tpu.vector_load %arg6[%get3A_199] {strides = array<i32>} : memref<8192xf32, #tpu.memory_space<vmem>>, vector<16xf32>,
      %abs3A_201 = math.absf %get3A_194 : vector<16xf32>
      %mul3A_202 = arith.constant -2.000000e+00 : f32
      %mul3A_203 = vector.broadcast %mul3A_202 : f32 to vector<16xf32>
      %mul3A_204 = arith.mulf %mul3A_203, %abs3A_201 : vector<16xf32>
      %exp3A_205 = math.exp %mul3A_204 : vector<16xf32>
      %sign3A_206 = tpu.bitcast %get3A_194 : vector<16xf32> -> vector<16xi32>
      %sign3A_207 = arith.constant -2147483648 : i32
      %sign3A_208 = vector.broadcast %sign3A_207 : i32 to vector<16xi32>
      %sign3A_209 = arith.andi %sign3A_206, %sign3A_208 : vector<16xi32>
      %sign3A_210 = arith.constant 1065353216 : i32
      %sign3A_211 = vector.broadcast %sign3A_210 : i32 to vector<16xi32>
      %sign3A_212 = arith.ori %sign3A_211, %sign3A_209 : vector<16xi32>
      %sign3A_213 = tpu.bitcast %sign3A_212 : vector<16xi32> -> vector<16xf32>
      %sign3A_214 = math.absf %get3A_194 : vector<16xf32>
      %sign3A_215 = arith.constant 0.000000e+00 : f32
      %sign3A_216 = vector.broadcast %sign3A_215 : f32 to vector<16xf32>
      %sign3A_217 = arith.cmpf ogt, %sign3A_214, %sign3A_216 : vector<16xf32>
      %sign3A_218 = arith.select %sign3A_217, %sign3A_213, %get3A_194 : vector<16xi1>, vector<16xf32>
      %sub3A_219 = arith.constant 1.000000e+00 : f32
      %sub3A_220 = vector.broadcast %sub3A_219 : f32 to vector<16xf32>
      %sub3A_221 = arith.subf %sub3A_220, %exp3A_205 : vector<16xf32>
      %add3A_222 = arith.constant 1.000000e+00 : f32
      %add3A_223 = vector.broadcast %add3A_222 : f32 to vector<16xf32>
      %add3A_224 = arith.addf %add3A_223, %exp3A_205 : vector<16xf32>
      %div3A_225 = arith.divf %sub3A_221, %add3A_224 : vector<16xf32>
      %mul3A_226 = arith.mulf %sign3A_218, %div3A_225 : vector<16xf32>
      %mul3A_227 = arith.mulf %mul3A_226, %get3A_200 : vector<16xf32>
      %add3A_228 = arith.addf %add3A_146, %mul3A_227 : vector<16xf32>
      %add3A_229 = arith.constant 16 : i32
      %add3A_230 = arith.addi %mul3A_190, %add3A_229 : i32
      %get3A_231 = arith.index_cast %add3A_230 : i32 to index
      %get3A_232 = tpu.vector_load %arg6[%get3A_231] {strides = array<i32>} : memref<8192xf32, #tpu.memory_space<vmem>>, vector<16xf32>,
      %add3A_233 = arith.constant 4096 : i32
      %add3A_234 = arith.addi %add3A_233, %mul3A_190 : i32
      %add3A_235 = arith.constant 16 : i32
      %add3A_236 = arith.addi %add3A_234, %add3A_235 : i32
      %get3A_237 = arith.index_cast %add3A_236 : i32 to index
      %get3A_238 = tpu.vector_load %arg6[%get3A_237] {strides = array<i32>} : memref<8192xf32, #tpu.memory_space<vmem>>, vector<16xf32>,
      %abs3A_239 = math.absf %get3A_232 : vector<16xf32>
      %mul3A_240 = arith.constant -2.000000e+00 : f32
      %mul3A_241 = vector.broadcast %mul3A_240 : f32 to vector<16xf32>
      %mul3A_242 = arith.mulf %mul3A_241, %abs3A_239 : vector<16xf32>
      %exp3A_243 = math.exp %mul3A_242 : vector<16xf32>
      %sign3A_244 = tpu.bitcast %get3A_232 : vector<16xf32> -> vector<16xi32>
      %sign3A_245 = arith.constant -2147483648 : i32
      %sign3A_246 = vector.broadcast %sign3A_245 : i32 to vector<16xi32>
      %sign3A_247 = arith.andi %sign3A_244, %sign3A_246 : vector<16xi32>
      %sign3A_248 = arith.constant 1065353216 : i32
      %sign3A_249 = vector.broadcast %sign3A_248 : i32 to vector<16xi32>
      %sign3A_250 = arith.ori %sign3A_249, %sign3A_247 : vector<16xi32>
      %sign3A_251 = tpu.bitcast %sign3A_250 : vector<16xi32> -> vector<16xf32>
      %sign3A_252 = math.absf %get3A_232 : vector<16xf32>
      %sign3A_253 = arith.constant 0.000000e+00 : f32
      %sign3A_254 = vector.broadcast %sign3A_253 : f32 to vector<16xf32>
      %sign3A_255 = arith.cmpf ogt, %sign3A_252, %sign3A_254 : vector<16xf32>
      %sign3A_256 = arith.select %sign3A_255, %sign3A_251, %get3A_232 : vector<16xi1>, vector<16xf32>
      %sub3A_257 = arith.constant 1.000000e+00 : f32
      %sub3A_258 = vector.broadcast %sub3A_257 : f32 to vector<16xf32>
      %sub3A_259 = arith.subf %sub3A_258, %exp3A_243 : vector<16xf32>
      %add3A_260 = arith.constant 1.000000e+00 : f32
      %add3A_261 = vector.broadcast %add3A_260 : f32 to vector<16xf32>
      %add3A_262 = arith.addf %add3A_261, %exp3A_243 : vector<16xf32>
      %div3A_263 = arith.divf %sub3A_259, %add3A_262 : vector<16xf32>
      %mul3A_264 = arith.mulf %sign3A_256, %div3A_263 : vector<16xf32>
      %mul3A_265 = arith.mulf %mul3A_264, %get3A_238 : vector<16xf32>
      %add3A_266 = arith.addf %add3A_184, %mul3A_265 : vector<16xf32>
      %mul3A_267 = arith.constant 4 : i32
      %mul3A_268 = arith.muli %scan3A_24, %mul3A_267 : i32
      %add3A_269 = arith.constant 3 : i32
      %add3A_270 = arith.addi %mul3A_268, %add3A_269 : i32
      %mul3A_271 = arith.constant 32 : i32
      %mul3A_272 = arith.muli %add3A_270, %mul3A_271 : i32
      %add3A_273 = arith.constant 0 : i32
      %add3A_274 = arith.addi %mul3A_272, %add3A_273 : i32
      %get3A_275 = arith.index_cast %add3A_274 : i32 to index
      %get3A_276 = tpu.vector_load %arg6[%get3A_275] {strides = array<i32>} : memref<8192xf32, #tpu.memory_space<vmem>>, vector<16xf32>,
      %add3A_277 = arith.constant 4096 : i32
      %add3A_278 = arith.addi %add3A_277, %mul3A_272 : i32
      %add3A_279 = arith.constant 0 : i32
      %add3A_280 = arith.addi %add3A_278, %add3A_279 : i32
      %get3A_281 = arith.index_cast %add3A_280 : i32 to index
      %get3A_282 = tpu.vector_load %arg6[%get3A_281] {strides = array<i32>} : memref<8192xf32, #tpu.memory_space<vmem>>, vector<16xf32>,
      %abs3A_283 = math.absf %get3A_276 : vector<16xf32>
      %mul3A_284 = arith.constant -2.000000e+00 : f32
      %mul3A_285 = vector.broadcast %mul3A_284 : f32 to vector<16xf32>
      %mul3A_286 = arith.mulf %mul3A_285, %abs3A_283 : vector<16xf32>
      %exp3A_287 = math.exp %mul3A_286 : vector<16xf32>
      %sign3A_288 = tpu.bitcast %get3A_276 : vector<16xf32> -> vector<16xi32>
      %sign3A_289 = arith.constant -2147483648 : i32
      %sign3A_290 = vector.broadcast %sign3A_289 : i32 to vector<16xi32>
      %sign3A_291 = arith.andi %sign3A_288, %sign3A_290 : vector<16xi32>
      %sign3A_292 = arith.constant 1065353216 : i32
      %sign3A_293 = vector.broadcast %sign3A_292 : i32 to vector<16xi32>
      %sign3A_294 = arith.ori %sign3A_293, %sign3A_291 : vector<16xi32>
      %sign3A_295 = tpu.bitcast %sign3A_294 : vector<16xi32> -> vector<16xf32>
      %sign3A_296 = math.absf %get3A_276 : vector<16xf32>
      %sign3A_297 = arith.constant 0.000000e+00 : f32
      %sign3A_298 = vector.broadcast %sign3A_297 : f32 to vector<16xf32>
      %sign3A_299 = arith.cmpf ogt, %sign3A_296, %sign3A_298 : vector<16xf32>
      %sign3A_300 = arith.select %sign3A_299, %sign3A_295, %get3A_276 : vector<16xi1>, vector<16xf32>
      %sub3A_301 = arith.constant 1.000000e+00 : f32
      %sub3A_302 = vector.broadcast %sub3A_301 : f32 to vector<16xf32>
      %sub3A_303 = arith.subf %sub3A_302, %exp3A_287 : vector<16xf32>
      %add3A_304 = arith.constant 1.000000e+00 : f32
      %add3A_305 = vector.broadcast %add3A_304 : f32 to vector<16xf32>
      %add3A_306 = arith.addf %add3A_305, %exp3A_287 : vector<16xf32>
      %div3A_307 = arith.divf %sub3A_303, %add3A_306 : vector<16xf32>
      %mul3A_308 = arith.mulf %sign3A_300, %div3A_307 : vector<16xf32>
      %mul3A_309 = arith.mulf %mul3A_308, %get3A_282 : vector<16xf32>
      %add3A_310 = arith.addf %add3A_228, %mul3A_309 : vector<16xf32>
      %add3A_311 = arith.constant 16 : i32
      %add3A_312 = arith.addi %mul3A_272, %add3A_311 : i32
      %get3A_313 = arith.index_cast %add3A_312 : i32 to index
      %get3A_314 = tpu.vector_load %arg6[%get3A_313] {strides = array<i32>} : memref<8192xf32, #tpu.memory_space<vmem>>, vector<16xf32>,
      %add3A_315 = arith.constant 4096 : i32
      %add3A_316 = arith.addi %add3A_315, %mul3A_272 : i32
      %add3A_317 = arith.constant 16 : i32
      %add3A_318 = arith.addi %add3A_316, %add3A_317 : i32
      %get3A_319 = arith.index_cast %add3A_318 : i32 to index
      %get3A_320 = tpu.vector_load %arg6[%get3A_319] {strides = array<i32>} : memref<8192xf32, #tpu.memory_space<vmem>>, vector<16xf32>,
      %abs3A_321 = math.absf %get3A_314 : vector<16xf32>
      %mul3A_322 = arith.constant -2.000000e+00 : f32
      %mul3A_323 = vector.broadcast %mul3A_322 : f32 to vector<16xf32>
      %mul3A_324 = arith.mulf %mul3A_323, %abs3A_321 : vector<16xf32>
      %exp3A_325 = math.exp %mul3A_324 : vector<16xf32>
      %sign3A_326 = tpu.bitcast %get3A_314 : vector<16xf32> -> vector<16xi32>
      %sign3A_327 = arith.constant -2147483648 : i32
      %sign3A_328 = vector.broadcast %sign3A_327 : i32 to vector<16xi32>
      %sign3A_329 = arith.andi %sign3A_326, %sign3A_328 : vector<16xi32>
      %sign3A_330 = arith.constant 1065353216 : i32
      %sign3A_331 = vector.broadcast %sign3A_330 : i32 to vector<16xi32>
      %sign3A_332 = arith.ori %sign3A_331, %sign3A_329 : vector<16xi32>
      %sign3A_333 = tpu.bitcast %sign3A_332 : vector<16xi32> -> vector<16xf32>
      %sign3A_334 = math.absf %get3A_314 : vector<16xf32>
      %sign3A_335 = arith.constant 0.000000e+00 : f32
      %sign3A_336 = vector.broadcast %sign3A_335 : f32 to vector<16xf32>
      %sign3A_337 = arith.cmpf ogt, %sign3A_334, %sign3A_336 : vector<16xf32>
      %sign3A_338 = arith.select %sign3A_337, %sign3A_333, %get3A_314 : vector<16xi1>, vector<16xf32>
      %sub3A_339 = arith.constant 1.000000e+00 : f32
      %sub3A_340 = vector.broadcast %sub3A_339 : f32 to vector<16xf32>
      %sub3A_341 = arith.subf %sub3A_340, %exp3A_325 : vector<16xf32>
      %add3A_342 = arith.constant 1.000000e+00 : f32
      %add3A_343 = vector.broadcast %add3A_342 : f32 to vector<16xf32>
      %add3A_344 = arith.addf %add3A_343, %exp3A_325 : vector<16xf32>
      %div3A_345 = arith.divf %sub3A_341, %add3A_344 : vector<16xf32>
      %mul3A_346 = arith.mulf %sign3A_338, %div3A_345 : vector<16xf32>
      %mul3A_347 = arith.mulf %mul3A_346, %get3A_320 : vector<16xf32>
      %add3A_348 = arith.addf %add3A_266, %mul3A_347 : vector<16xf32>
      scf.yield %add3A_310, %add3A_348 : vector<16xf32>, vector<16xf32>
    }
    %scan3A_14 = arith.constant 32 : i32
    %swap3A = arith.constant 0 : index
    %swap3A_15 = tpu.vector_load %arg7[%swap3A] {strides = array<i32>} : memref<32xf32, #tpu.memory_space<vmem>>, vector<16xf32>,
    tpu.vector_store %arg7[%swap3A], %scan3A_13#0 {strides = array<i32>} : memref<32xf32, #tpu.memory_space<vmem>>, vector<16xf32>,
    %swap3A_16 = arith.constant 16 : index
    %swap3A_17 = tpu.vector_load %arg7[%swap3A_16] {strides = array<i32>} : memref<32xf32, #tpu.memory_space<vmem>>, vector<16xf32>,
    tpu.vector_store %arg7[%swap3A_16], %scan3A_13#1 {strides = array<i32>} : memref<32xf32, #tpu.memory_space<vmem>>, vector<16xf32>,
    %scan3A_18 = arith.constant 0 : i32
    %scan3A_19 = arith.constant 0 : i32
    %scan3A_20 = arith.constant 16 : i32
    %scan3A_21 = arith.addi %scan3A_19, %scan3A_20 : i32
    %scan3A_22 = arith.constant 1 : i32
    scf.for %scan3A_24 = %scan3A_19 to %scan3A_21 step %scan3A_22  : i32 {
      %mul3A_25 = arith.constant 2 : i32
      %mul3A_26 = arith.muli %scan3A_24, %mul3A_25 : i32
      %add3A_27 = arith.constant 0 : i32
      %add3A_28 = arith.addi %mul3A_26, %add3A_27 : i32
      %mul3A_29 = arith.constant 16 : i32
      %mul3A_30 = arith.muli %add3A_28, %mul3A_29 : i32
      %get3A = arith.constant 0 : i32
      %get3A_31 = arith.index_cast %get3A : i32 to index
      %get3A_32 = arith.index_cast %mul3A_30 : i32 to index
      %get3A_33 = tpu.vector_load %arg5[%get3A_31, %get3A_32] {strides = array<i32>} : memref<7x512xi32, #tpu.memory_space<vmem>>, vector<16xi32>,
      %add3A_34 = arith.constant 0 : i32
      %add3A_35 = vector.broadcast %add3A_34 : i32 to vector<16xi32>
      %add3A_36 = arith.addi %get3A_33, %add3A_35 : vector<16xi32>
      %gather3A = tpu.vector_load_idx %arg7[%add3A_36] : memref<32xf32, #tpu.memory_space<vmem>>[vector<16xi32>], vector<16xf32>,
      %get3A_37 = arith.constant 1 : i32
      %get3A_38 = arith.index_cast %get3A_37 : i32 to index
      %get3A_39 = arith.index_cast %mul3A_30 : i32 to index
      %get3A_40 = tpu.vector_load %arg5[%get3A_38, %get3A_39] {strides = array<i32>} : memref<7x512xi32, #tpu.memory_space<vmem>>, vector<16xi32>,
      %add3A_41 = arith.constant 4 : i32
      %add3A_42 = vector.broadcast %add3A_41 : i32 to vector<16xi32>
      %add3A_43 = arith.addi %get3A_40, %add3A_42 : vector<16xi32>
      %gather3A_44 = tpu.vector_load_idx %arg7[%add3A_43] : memref<32xf32, #tpu.memory_space<vmem>>[vector<16xi32>], vector<16xf32>,
      %add3A_45 = arith.addf %gather3A, %gather3A_44 : vector<16xf32>
      %get3A_46 = arith.constant 2 : i32
      %get3A_47 = arith.index_cast %get3A_46 : i32 to index
      %get3A_48 = arith.index_cast %mul3A_30 : i32 to index
      %get3A_49 = tpu.vector_load %arg5[%get3A_47, %get3A_48] {strides = array<i32>} : memref<7x512xi32, #tpu.memory_space<vmem>>, vector<16xi32>,
      %add3A_50 = arith.constant 6 : i32
      %add3A_51 = vector.broadcast %add3A_50 : i32 to vector<16xi32>
      %add3A_52 = arith.addi %get3A_49, %add3A_51 : vector<16xi32>
      %gather3A_53 = tpu.vector_load_idx %arg7[%add3A_52] : memref<32xf32, #tpu.memory_space<vmem>>[vector<16xi32>], vector<16xf32>,
      %add3A_54 = arith.addf %add3A_45, %gather3A_53 : vector<16xf32>
      %get3A_55 = arith.constant 3 : i32
      %get3A_56 = arith.index_cast %get3A_55 : i32 to index
      %get3A_57 = arith.index_cast %mul3A_30 : i32 to index
      %get3A_58 = tpu.vector_load %arg5[%get3A_56, %get3A_57] {strides = array<i32>} : memref<7x512xi32, #tpu.memory_space<vmem>>, vector<16xi32>,
      %add3A_59 = arith.constant 8 : i32
      %add3A_60 = vector.broadcast %add3A_59 : i32 to vector<16xi32>
      %add3A_61 = arith.addi %get3A_58, %add3A_60 : vector<16xi32>
      %gather3A_62 = tpu.vector_load_idx %arg7[%add3A_61] : memref<32xf32, #tpu.memory_space<vmem>>[vector<16xi32>], vector<16xf32>,
      %add3A_63 = arith.addf %add3A_54, %gather3A_62 : vector<16xf32>
      %get3A_64 = arith.constant 4 : i32
      %get3A_65 = arith.index_cast %get3A_64 : i32 to index
      %get3A_66 = arith.index_cast %mul3A_30 : i32 to index
      %get3A_67 = tpu.vector_load %arg5[%get3A_65, %get3A_66] {strides = array<i32>} : memref<7x512xi32, #tpu.memory_space<vmem>>, vector<16xi32>,
      %add3A_68 = arith.constant 13 : i32
      %add3A_69 = vector.broadcast %add3A_68 : i32 to vector<16xi32>
      %add3A_70 = arith.addi %get3A_67, %add3A_69 : vector<16xi32>
      %gather3A_71 = tpu.vector_load_idx %arg7[%add3A_70] : memref<32xf32, #tpu.memory_space<vmem>>[vector<16xi32>], vector<16xf32>,
      %add3A_72 = arith.addf %add3A_63, %gather3A_71 : vector<16xf32>
      %get3A_73 = arith.constant 5 : i32
      %get3A_74 = arith.index_cast %get3A_73 : i32 to index
      %get3A_75 = arith.index_cast %mul3A_30 : i32 to index
      %get3A_76 = tpu.vector_load %arg5[%get3A_74, %get3A_75] {strides = array<i32>} : memref<7x512xi32, #tpu.memory_space<vmem>>, vector<16xi32>,
      %add3A_77 = arith.constant 16 : i32
      %add3A_78 = vector.broadcast %add3A_77 : i32 to vector<16xi32>
      %add3A_79 = arith.addi %get3A_76, %add3A_78 : vector<16xi32>
      %gather3A_80 = tpu.vector_load_idx %arg7[%add3A_79] : memref<32xf32, #tpu.memory_space<vmem>>[vector<16xi32>], vector<16xf32>,
      %add3A_81 = arith.addf %add3A_72, %gather3A_80 : vector<16xf32>
      %get3A_82 = arith.constant 6 : i32
      %get3A_83 = arith.index_cast %get3A_82 : i32 to index
      %get3A_84 = arith.index_cast %mul3A_30 : i32 to index
      %get3A_85 = tpu.vector_load %arg5[%get3A_83, %get3A_84] {strides = array<i32>} : memref<7x512xi32, #tpu.memory_space<vmem>>, vector<16xi32>,
      %add3A_86 = arith.constant 20 : i32
      %add3A_87 = vector.broadcast %add3A_86 : i32 to vector<16xi32>
      %add3A_88 = arith.addi %get3A_85, %add3A_87 : vector<16xi32>
      %gather3A_89 = tpu.vector_load_idx %arg7[%add3A_88] : memref<32xf32, #tpu.memory_space<vmem>>[vector<16xi32>], vector<16xf32>,
      %add3A_90 = arith.addf %add3A_81, %gather3A_89 : vector<16xf32>
      %swap3A_91 = arith.index_cast %mul3A_30 : i32 to index
      %swap3A_92 = tpu.vector_load %arg8[%swap3A_91] {strides = array<i32>} : memref<512xf32, #tpu.memory_space<vmem>>, vector<16xf32>,
      tpu.vector_store %arg8[%swap3A_91], %add3A_90 {strides = array<i32>} : memref<512xf32, #tpu.memory_space<vmem>>, vector<16xf32>,
      %mul3A_93 = arith.constant 2 : i32
      %mul3A_94 = arith.muli %scan3A_24, %mul3A_93 : i32
      %add3A_95 = arith.constant 1 : i32
      %add3A_96 = arith.addi %mul3A_94, %add3A_95 : i32
      %mul3A_97 = arith.constant 16 : i32
      %mul3A_98 = arith.muli %add3A_96, %mul3A_97 : i32
      %get3A_99 = arith.constant 0 : i32
      %get3A_100 = arith.index_cast %get3A_99 : i32 to index
      %get3A_101 = arith.index_cast %mul3A_98 : i32 to index
      %get3A_102 = tpu.vector_load %arg5[%get3A_100, %get3A_101] {strides = array<i32>} : memref<7x512xi32, #tpu.memory_space<vmem>>, vector<16xi32>,
      %add3A_103 = arith.constant 0 : i32
      %add3A_104 = vector.broadcast %add3A_103 : i32 to vector<16xi32>
      %add3A_105 = arith.addi %get3A_102, %add3A_104 : vector<16xi32>
      %gather3A_106 = tpu.vector_load_idx %arg7[%add3A_105] : memref<32xf32, #tpu.memory_space<vmem>>[vector<16xi32>], vector<16xf32>,
      %get3A_107 = arith.constant 1 : i32
      %get3A_108 = arith.index_cast %get3A_107 : i32 to index
      %get3A_109 = arith.index_cast %mul3A_98 : i32 to index
      %get3A_110 = tpu.vector_load %arg5[%get3A_108, %get3A_109] {strides = array<i32>} : memref<7x512xi32, #tpu.memory_space<vmem>>, vector<16xi32>,
      %add3A_111 = arith.constant 4 : i32
      %add3A_112 = vector.broadcast %add3A_111 : i32 to vector<16xi32>
      %add3A_113 = arith.addi %get3A_110, %add3A_112 : vector<16xi32>
      %gather3A_114 = tpu.vector_load_idx %arg7[%add3A_113] : memref<32xf32, #tpu.memory_space<vmem>>[vector<16xi32>], vector<16xf32>,
      %add3A_115 = arith.addf %gather3A_106, %gather3A_114 : vector<16xf32>
      %get3A_116 = arith.constant 2 : i32
      %get3A_117 = arith.index_cast %get3A_116 : i32 to index
      %get3A_118 = arith.index_cast %mul3A_98 : i32 to index
      %get3A_119 = tpu.vector_load %arg5[%get3A_117, %get3A_118] {strides = array<i32>} : memref<7x512xi32, #tpu.memory_space<vmem>>, vector<16xi32>,
      %add3A_120 = arith.constant 6 : i32
      %add3A_121 = vector.broadcast %add3A_120 : i32 to vector<16xi32>
      %add3A_122 = arith.addi %get3A_119, %add3A_121 : vector<16xi32>
      %gather3A_123 = tpu.vector_load_idx %arg7[%add3A_122] : memref<32xf32, #tpu.memory_space<vmem>>[vector<16xi32>], vector<16xf32>,
      %add3A_124 = arith.addf %add3A_115, %gather3A_123 : vector<16xf32>
      %get3A_125 = arith.constant 3 : i32
      %get3A_126 = arith.index_cast %get3A_125 : i32 to index
      %get3A_127 = arith.index_cast %mul3A_98 : i32 to index
      %get3A_128 = tpu.vector_load %arg5[%get3A_126, %get3A_127] {strides = array<i32>} : memref<7x512xi32, #tpu.memory_space<vmem>>, vector<16xi32>,
      %add3A_129 = arith.constant 8 : i32
      %add3A_130 = vector.broadcast %add3A_129 : i32 to vector<16xi32>
      %add3A_131 = arith.addi %get3A_128, %add3A_130 : vector<16xi32>
      %gather3A_132 = tpu.vector_load_idx %arg7[%add3A_131] : memref<32xf32, #tpu.memory_space<vmem>>[vector<16xi32>], vector<16xf32>,
      %add3A_133 = arith.addf %add3A_124, %gather3A_132 : vector<16xf32>
      %get3A_134 = arith.constant 4 : i32
      %get3A_135 = arith.index_cast %get3A_134 : i32 to index
      %get3A_136 = arith.index_cast %mul3A_98 : i32 to index
      %get3A_137 = tpu.vector_load %arg5[%get3A_135, %get3A_136] {strides = array<i32>} : memref<7x512xi32, #tpu.memory_space<vmem>>, vector<16xi32>,
      %add3A_138 = arith.constant 13 : i32
      %add3A_139 = vector.broadcast %add3A_138 : i32 to vector<16xi32>
      %add3A_140 = arith.addi %get3A_137, %add3A_139 : vector<16xi32>
      %gather3A_141 = tpu.vector_load_idx %arg7[%add3A_140] : memref<32xf32, #tpu.memory_space<vmem>>[vector<16xi32>], vector<16xf32>,
      %add3A_142 = arith.addf %add3A_133, %gather3A_141 : vector<16xf32>
      %get3A_143 = arith.constant 5 : i32
      %get3A_144 = arith.index_cast %get3A_143 : i32 to index
      %get3A_145 = arith.index_cast %mul3A_98 : i32 to index
      %get3A_146 = tpu.vector_load %arg5[%get3A_144, %get3A_145] {strides = array<i32>} : memref<7x512xi32, #tpu.memory_space<vmem>>, vector<16xi32>,
      %add3A_147 = arith.constant 16 : i32
      %add3A_148 = vector.broadcast %add3A_147 : i32 to vector<16xi32>
      %add3A_149 = arith.addi %get3A_146, %add3A_148 : vector<16xi32>
      %gather3A_150 = tpu.vector_load_idx %arg7[%add3A_149] : memref<32xf32, #tpu.memory_space<vmem>>[vector<16xi32>], vector<16xf32>,
      %add3A_151 = arith.addf %add3A_142, %gather3A_150 : vector<16xf32>
      %get3A_152 = arith.constant 6 : i32
      %get3A_153 = arith.index_cast %get3A_152 : i32 to index
      %get3A_154 = arith.index_cast %mul3A_98 : i32 to index
      %get3A_155 = tpu.vector_load %arg5[%get3A_153, %get3A_154] {strides = array<i32>} : memref<7x512xi32, #tpu.memory_space<vmem>>, vector<16xi32>,
      %add3A_156 = arith.constant 20 : i32
      %add3A_157 = vector.broadcast %add3A_156 : i32 to vector<16xi32>
      %add3A_158 = arith.addi %get3A_155, %add3A_157 : vector<16xi32>
      %gather3A_159 = tpu.vector_load_idx %arg7[%add3A_158] : memref<32xf32, #tpu.memory_space<vmem>>[vector<16xi32>], vector<16xf32>,
      %add3A_160 = arith.addf %add3A_151, %gather3A_159 : vector<16xf32>
      %swap3A_161 = arith.index_cast %mul3A_98 : i32 to index
      %swap3A_162 = tpu.vector_load %arg8[%swap3A_161] {strides = array<i32>} : memref<512xf32, #tpu.memory_space<vmem>>, vector<16xf32>,
      tpu.vector_store %arg8[%swap3A_161], %add3A_160 {strides = array<i32>} : memref<512xf32, #tpu.memory_space<vmem>>, vector<16xf32>,
    }
    %scan3A_23 = arith.constant 16 : i32
    "tpu.region"() ({
      %run_scoped3A = tpu.sem_alloc : memref<!tpu.dma_semaphore, #tpu.memory_space<semaphore_mem>>
      %dma_start3A_24 = tpu.memref_slice %arg4[%mul3A_2] : memref<16384xf32, #tpu.memory_space<hbm>> -> memref<512xf32, #tpu.memory_space<hbm>>
      %dma_start3A_25 = tpu.memref_slice %arg4[%mul3A_2] : memref<16384xf32, #tpu.memory_space<hbm>> -> memref<512xf32, #tpu.memory_space<hbm>>
      tpu.enqueue_dma source(%arg8 : memref<512xf32, #tpu.memory_space<vmem>>) target(%dma_start3A_25 : memref<512xf32, #tpu.memory_space<hbm>>) target_semaphore(%run_scoped3A : memref<!tpu.dma_semaphore, #tpu.memory_space<semaphore_mem>>)
      %dma_wait3A_26 = tpu.memref_slice %arg4[%mul3A_2] : memref<16384xf32, #tpu.memory_space<hbm>> -> memref<512xf32, #tpu.memory_space<hbm>>
      %dma_wait3A_27 = tpu.memref_slice %arg4[%mul3A_2] : memref<16384xf32, #tpu.memory_space<hbm>> -> memref<512xf32, #tpu.memory_space<hbm>>
      tpu.wait_dma2 semaphore(%run_scoped3A : memref<!tpu.dma_semaphore, #tpu.memory_space<semaphore_mem>>) src(%arg8 : memref<512xf32, #tpu.memory_space<vmem>>) dst(%dma_wait3A_27 : memref<512xf32, #tpu.memory_space<hbm>>)
      tpu.yield
    }) : () -> ()
    return
  }
}

</mosaic_0001>

<sc_bundles>
// kernel: _run.3.cloned.1.call-start
scs
__scs_entry_jumppad:
0x0: {  	(pc) =	sbr.rel $0x88, $3  }
0x1: {  	(tag) =	ssettag $0x0;
	lr =	simm.s32 $0x1  }
0x2: {  	[smem:$0x3F9F] =	sst lr;
	_ =	strace $0xD0000000  }
0x3: {  	_ = 	snop  }
0x4: {  	_ = 	snop  }
0x5: {  	_ = 	snop  }
0x6: {  	_ = 	snop  }
0x7: {  	_ = 	snop  }
__scs_overlays_trampoline_lowered:
0x8: {  	[smem:$0x3FAE] =	sst s0  }
0x9: {  	[smem:$0x3FAF] =	sst s1  }
0xa: {  	[smem:$0x3FB0] =	sst s2  }
0xb: {  	[smem:$0x3FB1] =	sst s3  }
0xc: {  	[smem:$0x3FB2] =	sst s4  }
0xd: {  	[smem:$0x3FB3] =	sst s5  }
0xe: {  	[smem:$0x3FB4] =	sst s6  }
0xf: {  	[smem:$0x3FB5] =	sst s7  }
0x10: {  	[smem:$0x3FB6] =	sst s8  }
0x11: {  	[smem:$0x3FB7] =	sst s9;
	s0 =	simm.s32 @!p0 $0x0  }
0x12: {  	s1 =	sld [smem:$0x3F9D];
	s0 =	simm.s32 @p0 $0x1  }
0x13: {  	[smem:$0x3FB8] =	sst s0;
	s0 =	simm.s32 @!p1 $0x0  }
0x14: {  	s2 =	sld [smem:$0x3F9C];
	s0 =	simm.s32 @p1 $0x1  }
0x15: {  	[smem:$0x3FB9] =	sst s0;
	s0 =	simm.s32 @!p2 $0x0  }
0x16: {  	s3 =	sld [smem:$0x3FDB];
	s0 =	simm.s32 @p2 $0x1  }
0x17: {  	s4 =	simm.s32 $0x1BF5;
	[smem:$0x3FBB] =	sst s0  }
0x18: {  	s0 =	sld [smem:$0x3F9E];
	_ =	swait.ge [sflag:s4], $0x0  }
0x19: {  	s7 =	sld [smem:$0x3F9F]  }
0x1a: {  	s8 =	sadd.s32 $0xFFFFE003, lr  }
0x1b: {  	s9 =	sadd.s32 $0xFFFFFEF7, lr;
	s5 =	simm.s32 $0xFFFFFFFF;
	p2 =	slt.u32 s8, $0xFFFFF086  }
0x1c: {  	p1 =	slt.u32 s9, $0xF7A;
	s5 =	simm.s32 @!p2 $0x0  }
0x1d: {  	s5 =	simm.s32 @p1 $0x1;
	p0 =	seq.s32 s7, s2  }
0x1e: {  	s7 =	smul.u32 @!p0 $0xF7A, s2;
	p2 =	seq.s32 @!p0 s5, $0x0  }
0x1f: {  	s9 =	smul.u32 $0xF7A, s1;
	s8 =	simm.s32 @!p0 $0x1BF5;
	p2 =	por !p2, p0  }
0x20: {  	[sflag:s8] =	ssyncset.s32 @!p0 $0xFFFFF086;
	s6 =	sadd.s32 @!p0 s3, s7;
	s7 =	simm.s32 @!p0 $0x108  }
0x21: {  	s3 =	sadd.s32 s3, s9;
	s6 =	sadd.s32 @!p0 $0x88, s6;
	s7 =	simm.s32 @p2 $0x1082  }
0x22: {  	[simem:s7], [sflag:s8] =	dma.local @!p0 [hbm:s6], $0xF7A  }
0x23: {  	s9 =	sor.u32 $0xD0000000, s2;
	s6 =	simm.s32 $0x108;
	_ =	swait.ge @!p0 [sflag:s8], $0x0  }
0x24: {  	s3 =	sadd.s32 $0x88, s3;
	s6 =	simm.s32 @!p1 $0x1082;
	[sflag:s4] =	ssyncset.s32 $0xFFFFF086  }
0x25: {  	[simem:s6], [sflag:s4] =	dma.local [hbm:s3], $0xF7A  }
0x26: {  	[smem:$0x3F9F] =	sst s1;
	(tag) =	ssettag s2;
	_ =	strace s9  }
0x27: {  	s1 =	sld [smem:$0x3FAF]  }
0x28: {  	s2 =	sld [smem:$0x3FB0]  }
0x29: {  	s4 =	sld [smem:$0x3FB2]  }
0x2a: {  	p0 =	seq.s32 s5, $0x0;
	s5 =	sld [smem:$0x3FB3]  }
0x2b: {  	s6 =	sld [smem:$0x3FB4]  }
0x2c: {  	s7 =	sld [smem:$0x3FB5]  }
0x2d: {  	s3 =	simm.s32 $0x108;
	s8 =	sld [smem:$0x3FB6]  }
0x2e: {  	s3 =	simm.s32 @!p0 $0x1082;
	s9 =	sld [smem:$0x3FB7]  }
0x2f: {  	lr =	sadd.s32 s0, s3;
	s0 =	sld [smem:$0x3FAE]  }
0x30: {  	s3 =	sld [smem:$0x3FB1]  }
0x31: {  	[smem:$0x3FBA] =	sst s10  }
0x32: {  	s10 =	sld [smem:$0x3FB8];
	_ =	sdelay $0x3  }
0x33: {  	p0 =	seq.s32 s10, $0x1;
	s10 =	sld [smem:$0x3FBA];
	_ =	sdelay $0x3  }
0x34: {  	[smem:$0x3FBA] =	sst s10  }
0x35: {  	s10 =	sld [smem:$0x3FB9];
	_ =	sdelay $0x3  }
0x36: {  	p1 =	seq.s32 s10, $0x1;
	s10 =	sld [smem:$0x3FBA];
	_ =	sdelay $0x3  }
0x37: {  	[smem:$0x3FBA] =	sst s10  }
0x38: {  	s10 =	sld [smem:$0x3FBB]  }
0x39: {  	_ = 	snop;
	(pc) =	sbr.ind lr, $3  }
0x3a: {  	_ = 	snop  }
0x3b: {  	_ = 	snop  }
0x3c: {  	p2 =	seq.s32 s10, $0x1;
	s10 =	sld [smem:$0x3FBA]  }
0x3d: {  	_ =	shalt  }
0x3e: {  	_ =	shalt  }
0x3f: {  	_ =	shalt  }
0x40: {  	_ =	shalt  }
0x41: {  	_ =	shalt  }
0x42: {  	_ =	shalt  }
0x43: {  	_ =	shalt  }
0x44: {  	_ =	shalt  }
0x45: {  	_ =	shalt  }
0x46: {  	_ =	shalt  }
0x47: {  	_ =	shalt  }
0x48: {  	_ =	shalt  }
0x49: {  	_ =	shalt  }
0x4a: {  	_ =	shalt  }
0x4b: {  	_ =	shalt  }
0x4c: {  	_ =	shalt  }
0x4d: {  	_ =	shalt  }
0x4e: {  	_ =	shalt  }
0x4f: {  	_ =	shalt  }
0x50: {  	_ =	shalt  }
0x51: {  	_ =	shalt  }
0x52: {  	_ =	shalt  }
0x53: {  	_ =	shalt  }
0x54: {  	_ =	shalt  }
0x55: {  	_ =	shalt  }
0x56: {  	_ =	shalt  }
0x57: {  	_ =	shalt  }
0x58: {  	_ =	shalt  }
0x59: {  	_ =	shalt  }
0x5a: {  	_ =	shalt  }
0x5b: {  	_ =	shalt  }
0x5c: {  	_ =	shalt  }
0x5d: {  	_ =	shalt  }
0x5e: {  	_ =	shalt  }
0x5f: {  	_ =	shalt  }
0x60: {  	_ =	shalt  }
0x61: {  	_ =	shalt  }
0x62: {  	_ =	shalt  }
0x63: {  	_ =	shalt  }
0x64: {  	_ =	shalt  }
0x65: {  	_ =	shalt  }
0x66: {  	_ =	shalt  }
0x67: {  	_ =	shalt  }
0x68: {  	_ =	shalt  }
0x69: {  	_ =	shalt  }
0x6a: {  	_ =	shalt  }
0x6b: {  	_ =	shalt  }
0x6c: {  	_ =	shalt  }
0x6d: {  	_ =	shalt  }
0x6e: {  	_ =	shalt  }
0x6f: {  	_ =	shalt  }
0x70: {  	_ =	shalt  }
0x71: {  	_ =	shalt  }
0x72: {  	_ =	shalt  }
0x73: {  	_ =	shalt  }
0x74: {  	_ =	shalt  }
0x75: {  	_ =	shalt  }
0x76: {  	_ =	shalt  }
0x77: {  	_ =	shalt  }
0x78: {  	_ =	shalt  }
0x79: {  	_ =	shalt  }
0x7a: {  	_ =	shalt  }
0x7b: {  	_ =	shalt  }
0x7c: {  	_ =	shalt  }
0x7d: {  	_ =	shalt  }
0x7e: {  	_ =	shalt  }
0x7f: {  	_ =	shalt  }
0x80: {  	_ =	shalt  }
0x81: {  	_ =	shalt  }
0x82: {  	_ =	shalt  }
0x83: {  	_ =	shalt  }
0x84: {  	_ =	shalt  }
0x85: {  	_ =	shalt  }
0x86: {  	_ =	shalt  }
0x87: {  	_ =	shalt  }
.Lfunc_end0:
.L_simem_size_0:
called_computation_lowered:
.L_overlay_start_0:
0x88: {  	s2 =	sld [smem:$0x3FD9]  }
0x89: {  	s3 =	sld [smem:$0x3FFE];
	_ =	sdelay $0x1  }
0x8a: {  	s1 =	srdreg.scid  }
0x8b: {  	s0 =	sand.u32 $0x1, s1  }
0x8c: {  	s18 =	sshll.u32 s0, $0xA;
	s2 =	sadd.s32 s3, s2  }
0x8d: {  	s2 =	sadd.s32 s2, s18  }
0x8e: {  	[smem:$0x3FC6] =	sst s2  }
0x8f: {  	_ = 	snop  }
0x90: {  	s2 =	sld [smem:$0x3FC9]  }
0x91: {  	s19 =	sld [smem:$0x3FC8]  }
0x92: {  	s4 =	sld [smem:$0x3FD0];
	(tm) =	ssettm $0x1  }
0x93: {  	s5 =	sld [smem:$0x3FFB];
	_ =	sdelay $0x3  }
0x94: {  	_ =	strace s5  }
0x95: {  	s5 =	sld [smem:$0x3FFC];
	_ =	sdelay $0x3  }
0x96: {  	_ =	strace s5  }
0x97: {  	s5 =	sld [smem:$0x3FFD];
	_ =	sdelay $0x3  }
0x98: {  	_ =	strace s5  }
0x99: {  	_ =	strace $0x8FFFFFFF  }
0x9a: {  	s20 =	sld [smem:$0x3FDB];
	_ =	sdelay $0x1  }
0x9b: {  	s6 =	simm.s32 $_scs_section_size  }
0x9c: {  	s7 =	simm.s32 $_size__tile_overlayer_lowered;
	s8 =	simm.s32 $_tile_overlayer_lowered  }
0x9d: {  	s23 =	simm.s32 $0x1BFF;
	s22 =	sshll.u32 s8, $0x1;
	s5 =	sadd.s32 s6, s20  }
0x9e: {  	s9 =	simm.s32 $0x0;
	s21 =	sshll.u32 s7, $0x1;
	s7 =	sadd.s32 s22, s5  }
0x9f: {  	[timem:s9], [sflag:s23] =	dma.local [hbm:s7], s21  }
0xa0: {  	_ =	swait.ge [sflag:s23], s21  }
0xa1: {  	s6 =	ssub.s32 $0x0, s21;
	[sflag:s23] =	ssyncset.done $0x0  }
0xa2: {  	[sflag:s23] =	ssyncadd.s32 s6;
	_ =	sdelay $0x1  }
0xa3: {  	s24 =	simm.s32 $0x1B8B  }
0xa4: {  	_ =	swait.ge [sflag:s24], $0x1  }
0xa5: {  	[sflag:s24] =	ssyncset.done $0x0  }
0xa6: {  	s25 =	simm.s32 $0x1B8E;
	[sflag:s24] =	ssyncadd.s32 $0xFFFFFFFF  }
0xa7: {  	s26 =	simm.s32 $execute0_lowered;
	[smem:$0x3FD2] =	sst s25  }
0xa8: {  	s6 =	sshll.u32 s26, $0x1;
	_ =	strace $0x80000046;
	[dreg:$0x1] =	wrdreg $0xFFFFFFFF  }
0xa9: {  	s28 =	simm.s32 $_size_execute0_lowered;
	s5 =	sadd.s32 s5, s6;
	[dreg:$0x0] =	wrdreg $0x0  }
0xaa: {  	s6 =	sshll.u32 s28, $0x1;
	[dreg:$0x2] =	wrdreg s5  }
0xab: {  	[dreg:$0x3] =	wrdreg s6  }
0xac: {  	[dreg:$0x4] =	wrdreg $0xC0  }
0xad: {  	_ =	task [dreg:s9], $0x5FFFF  }
0xae: {  	[dreg:$0x1] =	wrdreg $0xFFFFFFFF  }
0xaf: {  	[dreg:$0x0] =	wrdreg $0x60  }
0xb0: {  	[dreg:$0x2] =	wrdreg s2  }
0xb1: {  	[dreg:$0x3] =	wrdreg s19  }
0xb2: {  	[dreg:$0x4] =	wrdreg s4  }
0xb3: {  	[dreg:$0x5] =	wrdreg $0x9  }
0xb4: {  	_ =	task.clear_ibuf [dreg:s9], $0x6FFFF;
	_ =	strace $0x90000046  }
0xb5: {  	s29 =	simm.s32 $0x9;
	_ =	strace $0x80000048  }
0xb6: {  	_ =	swait.ge [sflag:s29], $0x1  }
0xb7: {  	[sflag:s29] =	ssyncadd.s32 $0xFFFFFFFF  }
0xb8: {  	_ =	strace $0x90000048  }
0xb9: {  	_ =	sfence  }
0xba: {  	s30 =	sld [smem:$0x0];
	_ =	sdelay $0x2  }
0xbb: {  	s31 =	sshll.u32 s1, $0xD;
	s1 =	sshrl.u32 s1, $0x2  }
0xbc: {  	s3 =	sand.u32 $0x4000, s31;
	s1 =	sadd.s32 s1, s30  }
0xbd: {  	s0 =	sor.u32 s3, s0;
	s1 =	sshll.u32 s1, $0x11  }
0xbe: {  	s0 =	sor.u32 s1, s0  }
0xbf: {  	s0 =	sadd.s32 $0x8F2B, s0  }
0xc0: {  	[sflag:s0] =	ssyncadd.remote.s32 $0x1  }
0xc1: {  	_ =	sfence.sel $0xFFFF  }
0xc2: {  	[dreg:$0x0] =	wrdreg $0xFFFFFFFF;
	(pc) =	sbr.abs _section_cstart, $3  }
0xc3: {  	[dreg:$0x1] =	wrdreg $0xFFFFFFFF  }
0xc4: {  	_ =	task.clear_ibuf [dreg:s9], $0x2FFFF;
	_ =	strace $0x9FFFFFFF  }
0xc5: {  	(tm) =	ssettm $0x7FFFFFFF  }
tec
execute0_lowered:
.L_overlay_start_1:
0x0: {  	(tag) =	ssettag $0x1  }
0x1: {  	s4 =	rddreg [dreg:$0x0]  }
0x2: {  	s1 =	rddreg [dreg:$0x1]  }
0x3: {  	s5 =	rddreg [dreg:$0x2]  }
0x4: {  	s0 =	rddreg [dreg:$0x3];
	s6 =	srdreg.scid  }
0x5: {  	s3 =	simm.s32 $0x0;
	s2 =	stileid.u32;
	s10 =	simm.s32 $0x3080  }
0x6: {  	s11 =	simm.s32 $0x2;
	s12 =	simm.s32 $0x0;
	s6 =	sand.u32 $0x1, s6  }
0x7: {  	s8 =	sshll.u32 s2, $0xA;
	s7 =	ssub.s32 $0x2, s6;
	s6 =	sshll.u32 s6, $0x9  }
0x8: {  	[smem:$0x7FF] =	sst s3;
	s9 =	sshrl.u32 s7, $0x1;
	s6 =	sor.u32 s6, s8  }
0x9: {  	_ =	strace $0x80000047;
	s7 =	ssub.s32 s7, s9;
	s8 =	sshrl.u32 s6, $0x3  }
0xa: {  	v0 =	vimm.f32 $1.000000000e+00;
	s4 =	sadd.s32 s4, s6;
	s9 =	simm.s32 $0x3000;
	s5 =	sadd.s32 s5, s8  }
0xb: {  	v0 =	vand.u32 $0x7FFFFFFF, v0;
	s6 =	smax.u32 s7, $0x1;
	s7 =	simm.s32 $0x1000;
	s8 =	simm.s32 $0x1  }
.LBB2_1:
0xc: {  	[tilespmem:s7], [sflag:$0x1] =	stream.linear.gather [hbm4b:s1+s3], $0x2000, $0x38;
	[tilespmem:$0x3280] =	vst v63  }
0xd: {  	_ = 	snop  }
0xe: {  	[tilespmem:s3], [sflag:$0x1] =	stream.linear.gather [hbm4b:s4+s3], $0x1000, $0x38;
	[tilespmem:$0x3280] =	vst v63  }
0xf: {  	_ =	swait.ge [sflag:s8], $0x2000  }
0x10: {  	[sflag:s8] =	ssyncset.done $0x0  }
0x11: {  	[sflag:s8] =	ssyncadd.s32 $0xFFFFE000  }
0x12: {  	_ =	swait.ge [sflag:s8], $0x1000  }
0x13: {  	[sflag:s8] =	ssyncset.done $0x0  }
0x14: {  	s13 =	simm.s32 $0x40;
	[sflag:s8] =	ssyncadd.s32 $0xFFFFF000  }
0x15: {  	v9 =	vld [tilespmem:s13+$0x1020]  }
0x16: {  	v2 =	vld [tilespmem:s13+$0x1030]  }
0x17: {  	v7 =	vld [tilespmem:s13+$0x1000]  }
0x18: {  	v1 =	vld [tilespmem:s13+$0x1010]  }
0x19: {  	v6 =	vld [tilespmem:s13+$0xFE0]  }
0x1a: {  	v4 =	vld [tilespmem:s13+$0xFF0];
	_ =	sdelay $0x2  }
0x1b: {  	v3 =	vimm.f32 $0.0e+00;
	v5 =	vand.u32 $0x7FFFFFFF, v9;
	v13 =	vand.u32 $0x7FFFFFFF, v7  }
0x1c: {  	v10 =	vand.u32 $0x7FFFFFFF, v2;
	v15 =	vand.u32 $0x7FFFFFFF, v6;
	v17 =	vand.u32 $0x7FFFFFFF, v1  }
0x1d: {  	v8 =	vld [tilespmem:s13+$0xFC0];
	v16 =	vand.u32 $0x7FFFFFFF, v4;
	v12 =	vmul.f32 $-2.000000000e+00, v5;
	v11 =	vmul.f32 $-2.000000000e+00, v10  }
0x1e: {  	s14 =	simm.s32 $0x300;
	v10 =	vld [tilespmem:s13+$0xFD0];
	v14 =	vmul.f32 $-2.000000000e+00, v13;
	v13 =	vmul.f32 $-2.000000000e+00, v17;
	v5 =	vimm.f32 $0.0e+00  }
.LBB2_2:
0x1f: {  	v15 =	vmul.f32 $-2.000000000e+00, v15  }
0x20: {  	v16 =	vmul.f32 $-2.000000000e+00, v16;
	vm2 =	vlt.f32 v9, $0.0e+00;
	vm3 =	vgt.f32 v9, $0.0e+00  }
0x21: {  	vm4 =	vlt.f32 v2, $0.0e+00;
	vm7 =	vgt.f32 v2, $0.0e+00;
	v12 =	vmul.f32 $1.442695020e+00, v12  }
0x22: {  	vm5 =	vlt.f32 v7, $0.0e+00;
	vm6 =	vgt.f32 v7, $0.0e+00;
	v11 =	vmul.f32 $1.442695020e+00, v11  }
0x23: {  	vm0 =	vlt.f32 v1, $0.0e+00;
	v14 =	vmul.f32 $1.442695020e+00, v14;
	(erf) = vpow2.f32 v12  }
0x24: {  	v12 =	vmul.f32 $1.442695020e+00, v13;
	v17 =	vand.u32 $0x7FFFFFFF, v8;
	(erf) = vpow2.f32 v11  }
0x25: {  	v18 =	vand.u32 $0x7FFFFFFF, v10;
	v11 =	vmul.f32 $1.442695020e+00, v15;
	v17 =	vmul.f32 $-2.000000000e+00, v17  }
0x26: {  	vm1 =	vgt.f32 v1, $0.0e+00;
	v18 =	vmul.f32 $-2.000000000e+00, v18;
	(erf) = vpow2.f32 v14  }
0x27: {  	vm8 =	vlt.f32 v6, $0.0e+00;
	v14 =	vmul.f32 $1.442695020e+00, v16;
	(erf) = vpow2.f32 v12  }
0x28: {  	vm9 =	vgt.f32 v6, $0.0e+00;
	v12 =	vmul.f32 $1.442695020e+00, v17;
	(erf) = vpow2.f32 v11  }
0x29: {  	vm10 =	vlt.f32 v4, $0.0e+00;
	v11 =	vmul.f32 $1.442695020e+00, v18;
	(erf) = vpow2.f32 v14  }
0x2a: {  	vm12 =	vgt.f32 v4, $0.0e+00;
	vm9 =	vmor vm9, vm8;
	(erf) = vpow2.f32 v12  }
0x2b: {  	vm12 =	vmor vm12, vm10;
	v13 =	vand.u32 $0x80000000, v9;
	(erf) = vpow2.f32 v11  }
0x2c: {  	v15 =	vand.u32 $0x80000000, v2;
	v20 =	vand.u32 $0x80000000, v8;
	vm11 =	vlt.f32 v8, $0.0e+00  }
0x2d: {  	vm13 =	vgt.f32 v8, $0.0e+00;
	v53 =	vand.u32 $0x80000000, v10;
	vm14 =	vlt.f32 v10, $0.0e+00;
	v16 =	vpop (erf)  }
0x2e: {  	vm15 =	vgt.f32 v10, $0.0e+00;
	v13 =	vor.u32 v13, v0;
	v18 =	vadd.f32 $1.000000000e+00, v16;
	v19 =	vpop (erf)  }
0x2f: {  	v15 =	vor.u32 v15, v0;
	v20 =	vor.u32 v20, v0;
	v21 =	vadd.f32 $1.000000000e+00, v19;
	v22 =	vpop (erf)  }
0x30: {  	vm13 =	vmor vm13, vm11;
	v23 =	vadd.f32 $1.000000000e+00, v22;
	v24 =	vpop (erf);
	(erf) = vrcp.f32 v18  }
0x31: {  	vm14 =	vmor vm15, vm14;
	v18 =	vadd.f32 $1.000000000e+00, v24;
	v25 =	vpop (erf);
	(erf) = vrcp.f32 v21  }
0x32: {  	v8 =	vsel vm13, v20, v8;
	v26 =	vadd.f32 $1.000000000e+00, v25;
	v27 =	vpop (erf);
	(erf) = vrcp.f32 v23  }
0x33: {  	v17 =	vand.u32 $0x80000000, v4;
	v54 =	vadd.f32 $1.000000000e+00, v27;
	v28 =	vpop (erf);
	(erf) = vrcp.f32 v18  }
0x34: {  	v14 =	vand.u32 $0x80000000, v7;
	v18 =	vadd.f32 $1.000000000e+00, v28;
	v29 =	vpop (erf);
	(erf) = vrcp.f32 v26  }
0x35: {  	v17 =	vor.u32 v17, v0;
	v55 =	vadd.f32 $1.000000000e+00, v29;
	(erf) = vrcp.f32 v54  }
0x36: {  	v12 =	vimm.s32 $0x0;
	v14 =	vor.u32 v14, v0;
	(erf) = vrcp.f32 v18  }
0x37: {  	v4 =	vsel vm12, v17, v4;
	v11 =	vand.u32 $0x80000000, v1;
	(erf) = vrcp.f32 v55  }
0x38: {  	v12 =	vsel vm0, $0xFFFFFFFF, v12;
	vm0 =	vmor vm3, vm2;
	vm2 =	vmor vm7, vm4  }
0x39: {  	v57 =	vld [tilespmem:s13+$0x2020];
	vm7 =	vmor vm6, vm5;
	[tilespmem:$0x1FFF0] =	vst v12;
	v12 =	vand.u32 $0x80000000, v6;
	v9 =	vsel vm0, v13, v9;
	v18 =	vpop (erf)  }
0x3a: {  	v32 =	vld [tilespmem:s13+$0x2000];
	v7 =	vsel vm7, v14, v7;
	v12 =	vor.u32 v12, v0;
	v16 =	vsub.f32 $1.000000000e+00, v16;
	v56 =	vpop (erf)  }
0x3b: {  	v33 =	vld [tilespmem:s13+$0x2010];
	v6 =	vsel vm9, v12, v6;
	v34 =	vsub.f32 $1.000000000e+00, v19;
	v22 =	vsub.f32 $1.000000000e+00, v22;
	v30 =	vpop (erf)  }
0x3c: {  	v58 =	vld [tilespmem:s13+$0x1FC0];
	v24 =	vsub.f32 $1.000000000e+00, v24;
	v25 =	vsub.f32 $1.000000000e+00, v25;
	v16 =	vmul.f32 v18, v16;
	v31 =	vpop (erf)  }
0x3d: {  	v60 =	vld [tilespmem:s13+$0x1FD0];
	v27 =	vsub.f32 $1.000000000e+00, v27;
	v18 =	vmul.f32 v56, v34;
	v22 =	vmul.f32 v30, v22;
	v14 =	vpop (erf)  }
0x3e: {  	v13 =	vld [tilespmem:s13+$0x2030];
	v28 =	vsub.f32 $1.000000000e+00, v28;
	v16 =	vmul.f32 v16, v9;
	v24 =	vmul.f32 v31, v24;
	v19 =	vpop (erf)  }
0x3f: {  	v29 =	vsub.f32 $1.000000000e+00, v29;
	v12 =	vmul.f32 v14, v25;
	v22 =	vmul.f32 v22, v7;
	v7 =	vld [tilespmem:$0x1FFF0];
	v59 =	vpop (erf)  }
0x40: {  	v62 =	vld [tilespmem:s13+$0x1FE0];
	v2 =	vsel vm2, v15, v2;
	v14 =	vmul.f32 v19, v27;
	v19 =	vpop (erf);
	v61 =	vmul.f32 v59, v28  }
0x41: {  	v63 =	vld [tilespmem:s13+$0x1FF0];
	s13 =	sshra.s32 s14, $0x2;
	v21 =	vor.u32 v53, v0;
	v18 =	vmul.f32 v18, v2;
	v19 =	vmul.f32 v19, v29  }
0x42: {  	v17 =	vld [tilespmem:s13+$0x1030];
	v10 =	vsel vm14, v21, v10;
	v16 =	vmul.f32 v16, v57;
	v8 =	vmul.f32 v61, v8  }
0x43: {  	v11 =	vor.u32 v11, v0;
	v9 =	vld [tilespmem:s13+$0x1020];
	v13 =	vmul.f32 v18, v13;
	v10 =	vmul.f32 v19, v10  }
0x44: {  	v6 =	vmul.f32 v12, v6;
	vm15 =	vnez.u8 v7;
	v8 =	vmul.f32 v8, v58  }
0x45: {  	v4 =	vmul.f32 v14, v4;
	v7 =	vld [tilespmem:s13+$0x1000];
	vm0 =	vmor vm1, vm15;
	v10 =	vmul.f32 v10, v60  }
0x46: {  	v12 =	vmul.f32 v6, v62;
	v6 =	vld [tilespmem:s13+$0xFE0];
	v11 =	vsel vm0, v11, v1;
	v3 =	vadd.f32 v8, v3  }
0x47: {  	v1 =	vld [tilespmem:s13+$0x1010];
	v11 =	vmul.f32 v24, v11;
	v8 =	vmul.f32 v4, v63;
	v5 =	vadd.f32 v10, v5  }
0x48: {  	p0 =	sne.s32 s14, $0x3F00;
	v2 =	vmovc v17;
	v15 =	vmul.f32 v22, v32;
	v14 =	vand.u32 $0x7FFFFFFF, v9;
	v4 =	vld [tilespmem:s13+$0xFF0];
	v3 =	vadd.f32 v12, v3  }
.Ltmp0:
0x49: {  	v19 =	vand.u32 $0x7FFFFFFF, v2;
	v11 =	vmul.f32 v11, v33;
	v5 =	vadd.f32 v8, v5;
	(pc) =	sbr.rel @p0 .LBB2_2-.Ltmp0, $4  }
0x4a: {  	v17 =	vand.u32 $0x7FFFFFFF, v7;
	v12 =	vmul.f32 $-2.000000000e+00, v14;
	v3 =	vadd.f32 v15, v3  }
0x4b: {  	v14 =	vmul.f32 $-2.000000000e+00, v17;
	v15 =	vand.u32 $0x7FFFFFFF, v6;
	v5 =	vadd.f32 v11, v5  }
0x4c: {  	v10 =	vld [tilespmem:s13+$0xFD0];
	v18 =	vand.u32 $0x7FFFFFFF, v1;
	v11 =	vmul.f32 $-2.000000000e+00, v19;
	v3 =	vadd.f32 v16, v3  }
0x4d: {  	s14 =	sadd.s32 $0x200, s14;
	v8 =	vld [tilespmem:s13+$0xFC0];
	v16 =	vand.u32 $0x7FFFFFFF, v4;
	v5 =	vadd.f32 v13, v5;
	v13 =	vmul.f32 $-2.000000000e+00, v18  }
0x4e: {  	v15 =	vmul.f32 $-2.000000000e+00, v15  }
0x4f: {  	v16 =	vmul.f32 $-2.000000000e+00, v16;
	v12 =	vmul.f32 $1.442695020e+00, v12  }
0x50: {  	v11 =	vmul.f32 $1.442695020e+00, v11;
	v14 =	vmul.f32 $1.442695020e+00, v14;
	v41 =	vand.u32 $0x80000000, v9  }
0x51: {  	vm2 =	vlt.f32 v9, $0.0e+00;
	vm3 =	vgt.f32 v9, $0.0e+00;
	v40 =	vmul.f32 $1.442695020e+00, v13  }
0x52: {  	v45 =	vand.u32 $0x80000000, v2;
	(erf) = vpow2.f32 v12;
	v42 =	vmul.f32 $1.442695020e+00, v15  }
0x53: {  	v43 =	vmul.f32 $1.442695020e+00, v16;
	(erf) = vpow2.f32 v11;
	v17 =	vand.u32 $0x7FFFFFFF, v8  }
0x54: {  	v18 =	vand.u32 $0x7FFFFFFF, v10;
	(erf) = vpow2.f32 v14;
	v17 =	vmul.f32 $-2.000000000e+00, v17  }
0x55: {  	vm4 =	vlt.f32 v2, $0.0e+00;
	v18 =	vmul.f32 $-2.000000000e+00, v18;
	(erf) = vpow2.f32 v40  }
0x56: {  	v47 =	vand.u32 $0x80000000, v7;
	(erf) = vpow2.f32 v42;
	v44 =	vmul.f32 $1.442695020e+00, v17  }
0x57: {  	vm6 =	vgt.f32 v2, $0.0e+00;
	v46 =	vmul.f32 $1.442695020e+00, v18;
	(erf) = vpow2.f32 v43  }
0x58: {  	vm5 =	vlt.f32 v7, $0.0e+00;
	vm7 =	vgt.f32 v7, $0.0e+00;
	(erf) = vpow2.f32 v44  }
0x59: {  	v48 =	vand.u32 $0x80000000, v1;
	vm0 =	vlt.f32 v1, $0.0e+00;
	(erf) = vpow2.f32 v46  }
0x5a: {  	v49 =	vimm.s32 $0x0;
	vm1 =	vgt.f32 v1, $0.0e+00;
	v50 =	vand.u32 $0x80000000, v6  }
0x5b: {  	vm8 =	vlt.f32 v6, $0.0e+00;
	vm9 =	vgt.f32 v6, $0.0e+00;
	v52 =	vand.u32 $0x80000000, v4;
	v51 =	vpop (erf)  }
0x5c: {  	vm10 =	vlt.f32 v4, $0.0e+00;
	vm11 =	vgt.f32 v4, $0.0e+00;
	v53 =	vadd.f32 $1.000000000e+00, v51;
	v19 =	vpop (erf)  }
0x5d: {  	v13 =	vor.u32 v45, v0;
	vm5 =	vmor vm7, vm5;
	v21 =	vadd.f32 $1.000000000e+00, v19;
	v22 =	vpop (erf)  }
0x5e: {  	vm9 =	vmor vm9, vm8;
	v23 =	vadd.f32 $1.000000000e+00, v22;
	v24 =	vpop (erf);
	(erf) = vrcp.f32 v53  }
0x5f: {  	vm11 =	vmor vm11, vm10;
	v54 =	vadd.f32 $1.000000000e+00, v24;
	v25 =	vpop (erf);
	(erf) = vrcp.f32 v21  }
0x60: {  	v15 =	vsel vm0, $0xFFFFFFFF, v49;
	v55 =	vadd.f32 $1.000000000e+00, v25;
	v26 =	vpop (erf);
	(erf) = vrcp.f32 v23  }
0x61: {  	vm0 =	vmor vm3, vm2;
	v27 =	vadd.f32 $1.000000000e+00, v26;
	(erf) = vrcp.f32 v54;
	v28 =	vpop (erf)  }
0x62: {  	vm2 =	vmor vm6, vm4;
	(erf) = vrcp.f32 v55;
	v57 =	vadd.f32 $1.000000000e+00, v28;
	v29 =	vpop (erf)  }
0x63: {  	v12 =	vor.u32 v48, v0;
	(erf) = vrcp.f32 v27;
	v58 =	vadd.f32 $1.000000000e+00, v29  }
0x64: {  	v56 =	vand.u32 $0x80000000, v10;
	vm14 =	vlt.f32 v10, $0.0e+00;
	(erf) = vrcp.f32 v57  }
0x65: {  	vm15 =	vgt.f32 v10, $0.0e+00;
	v11 =	vor.u32 v41, v0;
	(erf) = vrcp.f32 v58  }
0x66: {  	[tilespmem:$0x1FFE0] =	vst v15;
	v15 =	vor.u32 v50, v0;
	v2 =	vsel vm2, v13, v2;
	v20 =	vand.u32 $0x80000000, v8  }
0x67: {  	vm12 =	vlt.f32 v8, $0.0e+00;
	vm13 =	vgt.f32 v8, $0.0e+00;
	v14 =	vor.u32 v47, v0;
	v59 =	vpop (erf)  }
0x68: {  	vm14 =	vmor vm15, vm14;
	v62 =	vsel vm0, v11, v9;
	v47 =	vsel vm9, v15, v6;
	v60 =	vpop (erf)  }
0x69: {  	v20 =	vor.u32 v20, v0;
	vm13 =	vmor vm13, vm12;
	v38 =	vsel vm5, v14, v7;
	v61 =	vpop (erf)  }
0x6a: {  	v41 =	vsel vm13, v20, v8;
	v17 =	vor.u32 v52, v0;
	v16 =	vsub.f32 $1.000000000e+00, v51;
	v30 =	vpop (erf)  }
0x6b: {  	v49 =	vsel vm11, v17, v4;
	v19 =	vsub.f32 $1.000000000e+00, v19;
	v22 =	vsub.f32 $1.000000000e+00, v22;
	v33 =	vpop (erf)  }
0x6c: {  	v51 =	vld [tilespmem:$0x1FFE0];
	v24 =	vsub.f32 $1.000000000e+00, v24;
	v23 =	vor.u32 v56, v0;
	v28 =	vsub.f32 $1.000000000e+00, v28;
	v35 =	vpop (erf)  }
0x6d: {  	v36 =	vld [tilespmem:s13+$0x1FC0];
	v29 =	vsub.f32 $1.000000000e+00, v29;
	v16 =	vmul.f32 v59, v16;
	v34 =	vmul.f32 v60, v19;
	v37 =	vpop (erf)  }
0x6e: {  	v39 =	vld [tilespmem:s13+$0x1FD0];
	v63 =	vsub.f32 $1.000000000e+00, v25;
	v22 =	vmul.f32 v61, v22;
	v40 =	vpop (erf);
	v27 =	vmul.f32 v37, v28  }
0x6f: {  	v43 =	vld [tilespmem:s13+$0x1FE0];
	v32 =	vsub.f32 $1.000000000e+00, v26;
	v24 =	vmul.f32 v30, v24;
	v42 =	vmul.f32 v40, v29  }
0x70: {  	v45 =	vld [tilespmem:s13+$0x1FF0];
	v44 =	vsel vm14, v23, v10;
	v11 =	vmul.f32 v33, v63;
	v8 =	vmul.f32 v27, v41  }
0x71: {  	v46 =	vld [tilespmem:s13+$0x2000];
	vm15 =	vnez.u8 v51;
	v19 =	vmul.f32 v35, v32;
	v10 =	vmul.f32 v42, v44  }
0x72: {  	v48 =	vld [tilespmem:s13+$0x2010];
	vm0 =	vmor vm1, vm15;
	v6 =	vmul.f32 v11, v47;
	v8 =	vmul.f32 v8, v36  }
0x73: {  	v50 =	vld [tilespmem:s13+$0x2020];
	v1 =	vsel vm0, v12, v1;
	v4 =	vmul.f32 v19, v49;
	v10 =	vmul.f32 v10, v39  }
0x74: {  	v52 =	vld [tilespmem:s13+$0x2030];
	v7 =	vmul.f32 v22, v38;
	v6 =	vmul.f32 v6, v43;
	v3 =	vadd.f32 v8, v3  }
0x75: {  	v1 =	vmul.f32 v24, v1;
	v4 =	vmul.f32 v4, v45;
	v5 =	vadd.f32 v10, v5  }
0x76: {  	v9 =	vmul.f32 v16, v62;
	v7 =	vmul.f32 v7, v46;
	v3 =	vadd.f32 v6, v3  }
0x77: {  	v2 =	vmul.f32 v34, v2;
	v1 =	vmul.f32 v1, v48;
	v4 =	vadd.f32 v4, v5  }
0x78: {  	v53 =	vmul.f32 v9, v50;
	v3 =	vadd.f32 v7, v3  }
0x79: {  	v2 =	vmul.f32 v2, v52;
	v1 =	vadd.f32 v1, v4  }
0x7a: {  	v3 =	vadd.f32 v53, v3  }
0x7b: {  	s29 =	simm.s32 $0x0;
	v1 =	vadd.f32 v2, v1  }
0x7c: {  	s14 =	sand.u32 $0x60, s29;
	s15 =	sand.u32 $0xC00, s29;
	[tilespmem:$0x3000] =	vst v3  }
0x7d: {  	s16 =	sor.u32 s14, s15;
	[tilespmem:$0x3010] =	vst v1  }
0x7e: {  	v1 =	vld [tilespmem:s16+$0x80]  }
0x7f: {  	v2 =	vld [tilespmem:s16+$0x0]  }
0x80: {  	v3 =	vld [tilespmem:s16+$0x100];
	_ =	sdelay $0x1  }
0x81: {  	v54 =	vld [tilespmem:s16+$0x180]  }
0x82: {  	v1 =	vadd.s32 $0x4, v1  }
0x83: {  	v55 =	vld [tilespmem:s16+$0x200]  }
0x84: {  	v56 =	vld [tilespmem:s16+$0x280];
	v3 =	vadd.s32 $0x6, v3  }
0x85: {  	v57 =	vld [tilespmem:s16+$0x300]  }
0x86: {  	v4 =	vadd.s32 $0x8, v54;
	v2 =	vld.idx.msk [tilespmem:v2+s9+$0x0], $0xffff  }
0x87: {  	v1 =	vld.idx.msk [tilespmem:v1+s9+$0x0], $0xffff  }
0x88: {  	v5 =	vadd.s32 $0xD, v55  }
0x89: {  	v3 =	vld.idx.msk [tilespmem:v3+s9+$0x0], $0xffff  }
0x8a: {  	v6 =	vadd.s32 $0x10, v56  }
0x8b: {  	v4 =	vld.idx.msk [tilespmem:v4+s9+$0x0], $0xffff  }
0x8c: {  	v7 =	vadd.s32 $0x14, v57;
	v1 =	vadd.f32 v1, v2  }
0x8d: {  	v2 =	vld.idx.msk [tilespmem:v5+s9+$0x0], $0xffff  }
0x8e: {  	v1 =	vadd.f32 v3, v1  }
0x8f: {  	v3 =	vld.idx.msk [tilespmem:v6+s9+$0x0], $0xffff  }
0x90: {  	v1 =	vadd.f32 v4, v1  }
0x91: {  	v58 =	vld.idx.msk [tilespmem:v7+s9+$0x0], $0xffff  }
0x92: {  	v1 =	vadd.f32 v2, v1;
	_ =	sdelay $0x1  }
0x93: {  	v1 =	vadd.f32 v3, v1;
	_ =	sdelay $0x1  }
0x94: {  	v1 =	vadd.f32 v58, v1  }
0x95: {  	s30 =	simm.s32 $0x3080;
	s19 =	sor.u32 $0x10, s14  }
0x96: {  	s14 =	sor.u32 s19, s15;
	[tilespmem:s30+$0x0] =	vst v1  }
0x97: {  	v1 =	vld [tilespmem:s14+$0x80]  }
0x98: {  	v2 =	vld [tilespmem:s14+$0x0]  }
0x99: {  	v3 =	vld [tilespmem:s14+$0x100];
	_ =	sdelay $0x2  }
0x9a: {  	v59 =	vld [tilespmem:s14+$0x180];
	v1 =	vadd.s32 $0x4, v1;
	_ =	sdelay $0x1  }
0x9b: {  	v60 =	vld [tilespmem:s14+$0x200];
	v3 =	vadd.s32 $0x6, v3  }
0x9c: {  	v61 =	vld [tilespmem:s14+$0x280]  }
0x9d: {  	v2 =	vld.idx.msk [tilespmem:v2+s9+$0x0], $0xffff  }
0x9e: {  	v4 =	vadd.s32 $0x8, v59;
	v1 =	vld.idx.msk [tilespmem:v1+s9+$0x0], $0xffff  }
0x9f: {  	v62 =	vld [tilespmem:s14+$0x300]  }
0xa0: {  	v5 =	vadd.s32 $0xD, v60;
	v3 =	vld.idx.msk [tilespmem:v3+s9+$0x0], $0xffff;
	_ =	sdelay $0x2  }
0xa1: {  	v6 =	vadd.s32 $0x10, v61;
	v4 =	vld.idx.msk [tilespmem:v4+s9+$0x0], $0xffff;
	v1 =	vadd.f32 v1, v2;
	_ =	sdelay $0x1  }
0xa2: {  	v2 =	vld.idx.msk [tilespmem:v5+s9+$0x0], $0xffff;
	v1 =	vadd.f32 v3, v1;
	v3 =	vadd.s32 $0x14, v62;
	_ =	sdelay $0x2  }
0xa3: {  	v63 =	vld.idx.msk [tilespmem:v6+s9+$0x0], $0xffff;
	v1 =	vadd.f32 v4, v1;
	_ =	sdelay $0x1  }
0xa4: {  	v2 =	vadd.f32 v2, v1;
	v1 =	vld.idx.msk [tilespmem:v3+s9+$0x0], $0xffff  }
0xa5: {  	s31 =	simm.s32 $0x20  }
0xa6: {  	s22 =	simm.s32 $0x40;
	s17 =	simm.s32 $0x100;
	s15 =	simm.s32 $0x30A0  }
0xa7: {  	s13 =	sand.u32 $0x180, s31;
	s16 =	sand.u32 $0x180, s29;
	s14 =	sand.u32 $0x60, s31;
	v2 =	vadd.f32 v63, v2  }
.LBB2_4:
0xa8: {  	s21 =	sand.u32 $0x60, s22  }
0xa9: {  	s20 =	sand.u32 $0xC00, s17;
	v1 =	vadd.f32 v1, v2;
	s23 =	smov.u32 s22;
	s18 =	sadd.s32 $0x20, s22  }
0xaa: {  	s16 =	sor.u32 s19, s16;
	s23 =	sand.u32 $0x180, s23;
	s24 =	sor.u32 s14, s20  }
0xab: {  	p0 =	sne.s32 s22, $0x1E0;
	[tilespmem:s16+$0x3080] =	vst v1;
	s16 =	smov.u32 s13;
	s13 =	smov.u32 s23  }
0xac: {  	v1 =	vld [tilespmem:s24+$0x100]  }
0xad: {  	v2 =	vld [tilespmem:s24+$0x80]  }
0xae: {  	v3 =	vld [tilespmem:s24+$0x0]  }
0xaf: {  	v4 =	vld [tilespmem:s24+$0x180];
	_ =	sdelay $0x1  }
0xb0: {  	v1 =	vadd.s32 $0x6, v1;
	v5 =	vld [tilespmem:s24+$0x200]  }
0xb1: {  	v2 =	vadd.s32 $0x4, v2  }
0xb2: {  	v6 =	vld [tilespmem:s24+$0x280]  }
0xb3: {  	v4 =	vadd.s32 $0x8, v4;
	v7 =	vld [tilespmem:s24+$0x300];
	_ =	sdelay $0x1  }
0xb4: {  	v3 =	vld.idx.msk [tilespmem:v3+s9+$0x0], $0xffff;
	v5 =	vadd.s32 $0xD, v5  }
0xb5: {  	v2 =	vld.idx.msk [tilespmem:v2+s9+$0x0], $0xffff  }
0xb6: {  	v6 =	vadd.s32 $0x10, v6  }
0xb7: {  	v1 =	vld.idx.msk [tilespmem:v1+s9+$0x0], $0xffff;
	v7 =	vadd.s32 $0x14, v7;
	_ =	sdelay $0x1  }
0xb8: {  	v4 =	vld.idx.msk [tilespmem:v4+s9+$0x0], $0xffff;
	_ =	sdelay $0x1  }
0xb9: {  	v2 =	vadd.f32 v2, v3;
	v3 =	vld.idx.msk [tilespmem:v5+s9+$0x0], $0xffff;
	_ =	sdelay $0x1  }
0xba: {  	v1 =	vadd.f32 v1, v2;
	v2 =	vld.idx.msk [tilespmem:v6+s9+$0x0], $0xffff;
	_ =	sdelay $0x1  }
0xbb: {  	v1 =	vadd.f32 v4, v1;
	v4 =	vld.idx.msk [tilespmem:v7+s9+$0x0], $0xffff;
	_ =	sdelay $0x1  }
0xbc: {  	v1 =	vadd.f32 v3, v1;
	_ =	sdelay $0x1  }
0xbd: {  	v1 =	vadd.f32 v2, v1  }
0xbe: {  	s19 =	sor.u32 $0x10, s14;
	s14 =	smov.u32 s21  }
0xbf: {  	s20 =	sor.u32 s19, s20;
	v1 =	vadd.f32 v4, v1;
	_ =	sdelay $0x1  }
0xc0: {  	[tilespmem:s15+$0x0] =	vst v1  }
0xc1: {  	v1 =	vld [tilespmem:s20+$0x80]  }
0xc2: {  	v2 =	vld [tilespmem:s20+$0x0]  }
0xc3: {  	v3 =	vld [tilespmem:s20+$0x100]  }
0xc4: {  	v4 =	vld [tilespmem:s20+$0x180]  }
0xc5: {  	v5 =	vld [tilespmem:s20+$0x200]  }
0xc6: {  	v1 =	vadd.s32 $0x4, v1;
	v6 =	vld [tilespmem:s20+$0x280]  }
0xc7: {  	v7 =	vld [tilespmem:s20+$0x300]  }
0xc8: {  	v3 =	vadd.s32 $0x6, v3  }
0xc9: {  	v4 =	vadd.s32 $0x8, v4  }
0xca: {  	v2 =	vld.idx.msk [tilespmem:v2+s9+$0x0], $0xffff;
	v5 =	vadd.s32 $0xD, v5  }
0xcb: {  	v1 =	vld.idx.msk [tilespmem:v1+s9+$0x0], $0xffff;
	v6 =	vadd.s32 $0x10, v6  }
0xcc: {  	v7 =	vadd.s32 $0x14, v7  }
0xcd: {  	v3 =	vld.idx.msk [tilespmem:v3+s9+$0x0], $0xffff;
	_ =	sdelay $0x1  }
0xce: {  	v4 =	vld.idx.msk [tilespmem:v4+s9+$0x0], $0xffff;
	_ =	sdelay $0x1  }
0xcf: {  	v1 =	vadd.f32 v1, v2;
	v2 =	vld.idx.msk [tilespmem:v5+s9+$0x0], $0xffff;
	_ =	sdelay $0x1  }
0xd0: {  	v1 =	vadd.f32 v3, v1;
	v3 =	vld.idx.msk [tilespmem:v6+s9+$0x0], $0xffff;
	_ =	sdelay $0x1  }
0xd1: {  	v4 =	vadd.f32 v4, v1;
	v1 =	vld.idx.msk [tilespmem:v7+s9+$0x0], $0xffff  }
.Ltmp1:
0xd2: {  	(pc) =	sbr.rel @p0 .LBB2_4-.Ltmp1, $3  }
0xd3: {  	v2 =	vadd.f32 v2, v4;
	_ =	sdelay $0x1  }
0xd4: {  	v2 =	vadd.f32 v3, v2  }
0xd5: {  	s17 =	sadd.s32 $0x100, s17;
	s22 =	smov.u32 s18;
	s15 =	sadd.s32 $0x20, s15  }
0xd6: {  	v1 =	vadd.f32 v1, v2  }
0xd7: {  	s17 =	sand.u32 $0xC00, s17;
	s16 =	sor.u32 s19, s16  }
0xd8: {  	s18 =	sor.u32 s14, s17;
	[tilespmem:s16+$0x3080] =	vst v1  }
0xd9: {  	v1 =	vld [tilespmem:s18+$0x80]  }
0xda: {  	v2 =	vld [tilespmem:s18+$0x0]  }
0xdb: {  	v3 =	vld [tilespmem:s18+$0x100];
	_ =	sdelay $0x1  }
0xdc: {  	v4 =	vld [tilespmem:s18+$0x180]  }
0xdd: {  	v1 =	vadd.s32 $0x4, v1  }
0xde: {  	v5 =	vld [tilespmem:s18+$0x200]  }
0xdf: {  	v6 =	vld [tilespmem:s18+$0x280];
	v3 =	vadd.s32 $0x6, v3  }
0xe0: {  	v7 =	vld [tilespmem:s18+$0x300]  }
0xe1: {  	v4 =	vadd.s32 $0x8, v4;
	v2 =	vld.idx.msk [tilespmem:v2+s9+$0x0], $0xffff  }
0xe2: {  	v1 =	vld.idx.msk [tilespmem:v1+s9+$0x0], $0xffff  }
0xe3: {  	v5 =	vadd.s32 $0xD, v5  }
0xe4: {  	v3 =	vld.idx.msk [tilespmem:v3+s9+$0x0], $0xffff  }
0xe5: {  	v6 =	vadd.s32 $0x10, v6  }
0xe6: {  	v4 =	vld.idx.msk [tilespmem:v4+s9+$0x0], $0xffff  }
0xe7: {  	v7 =	vadd.s32 $0x14, v7;
	v1 =	vadd.f32 v1, v2  }
0xe8: {  	v2 =	vld.idx.msk [tilespmem:v5+s9+$0x0], $0xffff  }
0xe9: {  	v1 =	vadd.f32 v3, v1  }
0xea: {  	v3 =	vld.idx.msk [tilespmem:v6+s9+$0x0], $0xffff  }
0xeb: {  	v1 =	vadd.f32 v4, v1  }
0xec: {  	v58 =	vld.idx.msk [tilespmem:v7+s9+$0x0], $0xffff  }
0xed: {  	v1 =	vadd.f32 v2, v1;
	_ =	sdelay $0x1  }
0xee: {  	v1 =	vadd.f32 v3, v1;
	_ =	sdelay $0x1  }
0xef: {  	v1 =	vadd.f32 v58, v1  }
0xf0: {  	s30 =	sor.u32 $0x10, s14  }
0xf1: {  	s31 =	sor.u32 s30, s17;
	[tilespmem:s15+$0x0] =	vst v1  }
0xf2: {  	v1 =	vld [tilespmem:s31+$0x80]  }
0xf3: {  	v2 =	vld [tilespmem:s31+$0x0]  }
0xf4: {  	v3 =	vld [tilespmem:s31+$0x100];
	_ =	sdelay $0x1  }
0xf5: {  	v59 =	vld [tilespmem:s31+$0x180]  }
0xf6: {  	v1 =	vadd.s32 $0x4, v1  }
0xf7: {  	v60 =	vld [tilespmem:s31+$0x200]  }
0xf8: {  	v61 =	vld [tilespmem:s31+$0x280];
	v3 =	vadd.s32 $0x6, v3  }
0xf9: {  	v62 =	vld [tilespmem:s31+$0x300]  }
0xfa: {  	v4 =	vadd.s32 $0x8, v59;
	v2 =	vld.idx.msk [tilespmem:v2+s9+$0x0], $0xffff  }
0xfb: {  	v1 =	vld.idx.msk [tilespmem:v1+s9+$0x0], $0xffff  }
0xfc: {  	v5 =	vadd.s32 $0xD, v60  }
0xfd: {  	v3 =	vld.idx.msk [tilespmem:v3+s9+$0x0], $0xffff  }
0xfe: {  	v6 =	vadd.s32 $0x10, v61  }
0xff: {  	v4 =	vld.idx.msk [tilespmem:v4+s9+$0x0], $0xffff  }
0x100: {  	v7 =	vadd.s32 $0x14, v62;
	v1 =	vadd.f32 v1, v2  }
0x101: {  	v2 =	vld.idx.msk [tilespmem:v5+s9+$0x0], $0xffff  }
0x102: {  	v1 =	vadd.f32 v3, v1  }
0x103: {  	v3 =	vld.idx.msk [tilespmem:v6+s9+$0x0], $0xffff  }
0x104: {  	v1 =	vadd.f32 v4, v1  }
0x105: {  	v63 =	vld.idx.msk [tilespmem:v7+s9+$0x0], $0xffff  }
0x106: {  	v1 =	vadd.f32 v2, v1;
	_ =	sdelay $0x1  }
0x107: {  	v1 =	vadd.f32 v3, v1;
	_ =	sdelay $0x1  }
0x108: {  	s12 =	sadd.s32 $0x1, s12;
	v1 =	vadd.f32 v63, v1  }
0x109: {  	s13 =	sor.u32 s30, s13;
	p0 =	sne.s32 s12, s6  }
.Ltmp2:
0x10a: {  	[tilespmem:s13+$0x3080] =	vst v1;
	(pc) =	sbr.rel @p0 .LBB2_1-.Ltmp2, $4  }
0x10b: {  	[hbm4b:s5+s3] =	stream.linear.scatter [tilespmem:s10], [sflag:$0x2], $0x200, $0x38;
	[tilespmem:$0x3280] =	vst v63  }
0x10c: {  	_ =	swait.ge [sflag:s11], $0x200  }
0x10d: {  	[sflag:s11] =	ssyncset.done $0x0  }
0x10e: {  	[sflag:s11] =	ssyncadd.s32 $0xFFFFFE00  }
0x10f: {  	_ =	sfence.sel $0x180000  }
0x110: {  	[bflag:$0x0] =	sbarrier.arrive $0xFFFF  }
0x111: {  	p0 =	sne.s32 s2, $0x0;
	_ =	strace $0x90000047  }
0x112: {  	s0 =	sadd.s32 @!p0 $0x100000, s0;
	[bflag:$0x2] =	sbarrier.arrive $0xFFFF  }
0x113: {  	[sflag:s0] =	ssyncadd.tile.s32 @!p0 $0x1;
	_ =	shalt  }
.Lfunc_end2:
_tile_overlayer_lowered:
.L_overlay_start_2:
0x114: {  	(tag) =	ssettag $0x2  }
0x115: {  	s0 =	rddreg [dreg:$0x0];
	s2 =	stileid.u32  }
0x116: {  	s1 =	rddreg [dreg:$0x1];
	p0 =	sne.s32 s2, $0x0  }
0x117: {  	s3 =	rddreg [dreg:$0x2];
	[bflag:$0x3] =	sbarrier.arrive $0xFFFF;
	s2 =	simm.s32 @!p0 $0x1C02  }
0x118: {  	[timem:s3], [sflag:s2] =	dma.local @!p0 [hbm:s0], s1  }
0x119: {  	s0 =	simm.s32 @!p0 $0x2  }
0x11a: {  	_ =	swait.ge @!p0 [sflag:s0], s1  }
0x11b: {  	s1 =	ssub.s32 @!p0 $0x0, s1;
	[sflag:s0] =	ssyncset.done @!p0 $0x0  }
0x11c: {  	[sflag:s0] =	ssyncadd.s32 @!p0 s1  }
0x11d: {  	[bflag:$0x3] =	sbarrier.arrive $0xFFFF  }
0x11e: {  	_ =	shalt  }

</sc_bundles>
